<compile_context>
chip_gen: v7x
topology: tpu7x:2x2x1
jax: 0.10.2.dev20260603
libtpu: 0.0.44.dev20260713+nightly
codegen_flags: <defaults>
</compile_context>

<pallas_src>
import functools

import jax
import jax.numpy as jnp
from jax import lax
from jax.experimental import pallas as pl
from jax.experimental.pallas import tpu as pltpu
from jax.experimental.pallas import tpu_sc as plsc

B = 16384
D = 32
NCTX = 5

_info = plsc.get_sparse_core_info()
NC = _info.num_cores
NS = _info.num_subcores
L = _info.num_lanes
NW = NC * NS
BPW = B // NW
CHUNK = 128
NT_CH = BPW // CHUNK
NCC = BPW * NCTX // CHUNK


def _make_sc_kernel():
    mesh = plsc.VectorSubcoreMesh(core_axis_name="c", subcore_axis_name="s")

    @functools.partial(
        pl.kernel,
        mesh=mesh,
        compiler_params=pltpu.CompilerParams(
            use_tc_tiling_on_sc=False, needs_layout_passes=False),
        out_type=jax.ShapeDtypeStruct((B * NCTX,), jnp.float32),
        scratch_types=[
            pltpu.VMEM((BPW,), jnp.int32),
            pltpu.VMEM((BPW * NCTX,), jnp.int32),
            pltpu.VMEM((BPW, D), jnp.float32),
            pltpu.VMEM((BPW * NCTX, D), jnp.float32),
            pltpu.VMEM((BPW * NCTX,), jnp.float32),
            pltpu.SemaphoreType.DMA,
        ],
    )
    def sc_kernel(tgt_idx_hbm, ctx_idx_hbm, tgt_tab_hbm, ctx_tab_hbm,
                  out_hbm, idx_tv, idx_cv, tgt_rows, ctx_rows, out_v, sem):
        wid = lax.axis_index("s") * NC + lax.axis_index("c")

        pltpu.sync_copy(tgt_idx_hbm.at[pl.ds(wid * BPW, BPW)], idx_tv)
        pltpu.sync_copy(ctx_idx_hbm.at[pl.ds(wid * BPW * NCTX, BPW * NCTX)],
                        idx_cv)

        copies = []
        for j in range(NT_CH):
            copies.append(pltpu.async_copy(
                tgt_tab_hbm.at[idx_tv.at[pl.ds(j * CHUNK, CHUNK)]],
                tgt_rows.at[pl.ds(j * CHUNK, CHUNK)], sem))
        for j in range(NCC):
            copies.append(pltpu.async_copy(
                ctx_tab_hbm.at[idx_cv.at[pl.ds(j * CHUNK, CHUNK)]],
                ctx_rows.at[pl.ds(j * CHUNK, CHUNK)], sem))
        for cp in copies:
            cp.wait()

        lanes = lax.iota(jnp.int32, L)

        def group_body(g, carry):
            bidx = g * L + lanes
            crow = bidx * NCTX
            accs = [jnp.zeros((L,), jnp.float32) for _ in range(NCTX)]
            for e in range(D):
                ecol = jnp.full((L,), e, jnp.int32)
                t_e = plsc.load_gather(tgt_rows, [bidx, ecol])
                for c in range(NCTX):
                    c_e = plsc.load_gather(ctx_rows, [crow + c, ecol])
                    accs[c] = accs[c] + t_e * c_e
            for c in range(NCTX):
                plsc.store_scatter(out_v, [crow + c], accs[c])
            return carry

        lax.fori_loop(0, BPW // L, group_body, 0)

        pltpu.sync_copy(out_v, out_hbm.at[pl.ds(wid * BPW * NCTX, BPW * NCTX)])

    return sc_kernel


_sc_kernel = _make_sc_kernel()


def kernel(target, context, target_table, context_table):
    tgt_idx = target.reshape(B)
    ctx_idx = context.reshape(B * NCTX)
    out = _sc_kernel(tgt_idx, ctx_idx, target_table, context_table)
    return out.reshape(B, NCTX)

# --- scband reference (transcript-rebuilt; emitter-appended) ---
"""Pipeline reference for scband-word2-vec-35613868819233 (READ-ONLY COPY).

The authoritative reference and input builder live on the scoring server;
editing this copy changes nothing except your own understanding.
"""

import jax, jax.numpy as jnp
import numpy as np

VOCAB = 1000000
EMBED = 32
BATCH = 16384
NUM_NS = 4

def setup_inputs(seed: int = 0) -> dict:
    key = jax.random.key(seed)
    k1, k2, k3, k4 = jax.random.split(key, 4)
    target = jax.random.randint(k1, (BATCH, 1), 0, VOCAB, dtype=jnp.int64 if jax.config.jax_enable_x64 else jnp.int32).astype(jnp.int32)
    context = jax.random.randint(k2, (BATCH, NUM_NS + 1), 0, VOCAB).astype(jnp.int32)
    target_table = (jax.random.normal(k3, (VOCAB, EMBED), dtype=jnp.float32) * 0.02)
    context_table = (jax.random.normal(k4, (VOCAB, EMBED), dtype=jnp.float32) * 0.02)
    return {"target": target, "context": context, "target_table": target_table, "context_table": context_table}

def reference(target, context, target_table, context_table):
    # target_embedding lookup: [B, 1] -> [B, 1, D]
    target_embedding = jnp.take(target_table, target, axis=0)
    # context_embedding lookup: [B, num_ns+1] -> [B, num_ns+1, D]
    context_embedding = jnp.take(context_table, context, axis=0)
    # Dot(axes=(3,2))([context_embedding, target_embedding]):
    # contract embedding dim of context with embedding dim of target
    # -> [B, num_ns+1, 1]
    dots = jnp.einsum('bce,bte->bct', context_embedding, target_embedding)
    # Flatten -> [B, num_ns+1]
    return dots.reshape(dots.shape[0], -1)

if __name__ == "__main__":
    import jax
    _d = setup_inputs()
    print(jax.jit(kernel)(*tuple(_d.values())))

</pallas_src>

<mosaic_0001>
#map = affine_map<(d0, d1) -> (0)>
#map1 = affine_map<(d0, d1) -> (0, 0)>
module attributes {stable_mosaic.version = 14 : i64} {
  func.func @sc_kernel(%arg0: i32, %arg1: i32, %arg2: memref<16384xi32, #tpu.memory_space<hbm>>, %arg3: memref<81920xi32, #tpu.memory_space<hbm>>, %arg4: memref<1000000x32xf32, #tpu.memory_space<hbm>>, %arg5: memref<1000000x32xf32, #tpu.memory_space<hbm>>, %arg6: memref<81920xf32, #tpu.memory_space<hbm>>, %arg7: memref<512xi32, #tpu.memory_space<vmem>>, %arg8: memref<2560xi32, #tpu.memory_space<vmem>>, %arg9: memref<512x32xf32, #tpu.memory_space<vmem>>, %arg10: memref<2560x32xf32, #tpu.memory_space<vmem>>, %arg11: memref<2560xf32, #tpu.memory_space<vmem>>, %arg12: memref<!tpu.dma_semaphore, #tpu.memory_space<semaphore_mem>>) attributes {dimension_semantics = [#tpu.dimension_semantics<core_parallel>, #tpu.dimension_semantics<subcore_parallel>], iteration_bounds = array<i64: 2, 16>, scalar_prefetch = 0 : i64, scratch_operands = 6 : i64, tpu.core_type = #tpu.core_type<sc_vector_subcore>, window_params = [{transform_indices = #map}, {transform_indices = #map}, {transform_indices = #map1}, {transform_indices = #map1}, {transform_indices = #map}]} {
    %mul3A = arith.constant 2 : i32
    %mul3A_0 = arith.muli %arg1, %mul3A : i32
    %add3A = arith.addi %mul3A_0, %arg0 : i32
    %mul3A_1 = arith.constant 512 : i32
    %mul3A_2 = arith.muli %add3A, %mul3A_1 : i32
    "tpu.region"() ({
      %run_scoped3A = tpu.sem_alloc : memref<!tpu.dma_semaphore, #tpu.memory_space<semaphore_mem>>
      %dma_start3A_398 = tpu.memref_slice %arg2[%mul3A_2] : memref<16384xi32, #tpu.memory_space<hbm>> -> memref<512xi32, #tpu.memory_space<hbm>>
      %dma_start3A_399 = tpu.memref_slice %arg2[%mul3A_2] : memref<16384xi32, #tpu.memory_space<hbm>> -> memref<512xi32, #tpu.memory_space<hbm>>
      tpu.enqueue_dma source(%dma_start3A_399 : memref<512xi32, #tpu.memory_space<hbm>>) target(%arg7 : memref<512xi32, #tpu.memory_space<vmem>>) target_semaphore(%run_scoped3A : memref<!tpu.dma_semaphore, #tpu.memory_space<semaphore_mem>>)
      %dma_wait3A_400 = tpu.memref_slice %arg2[%mul3A_2] : memref<16384xi32, #tpu.memory_space<hbm>> -> memref<512xi32, #tpu.memory_space<hbm>>
      %dma_wait3A_401 = tpu.memref_slice %arg2[%mul3A_2] : memref<16384xi32, #tpu.memory_space<hbm>> -> memref<512xi32, #tpu.memory_space<hbm>>
      tpu.wait_dma2 semaphore(%run_scoped3A : memref<!tpu.dma_semaphore, #tpu.memory_space<semaphore_mem>>) src(%dma_wait3A_401 : memref<512xi32, #tpu.memory_space<hbm>>) dst(%arg7 : memref<512xi32, #tpu.memory_space<vmem>>)
      tpu.yield
    }) : () -> ()
    %mul3A_3 = arith.constant 512 : i32
    %mul3A_4 = arith.muli %add3A, %mul3A_3 : i32
    %mul3A_5 = arith.constant 5 : i32
    %mul3A_6 = arith.muli %mul3A_4, %mul3A_5 : i32
    "tpu.region"() ({
      %run_scoped3A = tpu.sem_alloc : memref<!tpu.dma_semaphore, #tpu.memory_space<semaphore_mem>>
      %dma_start3A_398 = tpu.memref_slice %arg3[%mul3A_6] : memref<81920xi32, #tpu.memory_space<hbm>> -> memref<2560xi32, #tpu.memory_space<hbm>>
      %dma_start3A_399 = tpu.memref_slice %arg3[%mul3A_6] : memref<81920xi32, #tpu.memory_space<hbm>> -> memref<2560xi32, #tpu.memory_space<hbm>>
      tpu.enqueue_dma source(%dma_start3A_399 : memref<2560xi32, #tpu.memory_space<hbm>>) target(%arg8 : memref<2560xi32, #tpu.memory_space<vmem>>) target_semaphore(%run_scoped3A : memref<!tpu.dma_semaphore, #tpu.memory_space<semaphore_mem>>)
      %dma_wait3A_400 = tpu.memref_slice %arg3[%mul3A_6] : memref<81920xi32, #tpu.memory_space<hbm>> -> memref<2560xi32, #tpu.memory_space<hbm>>
      %dma_wait3A_401 = tpu.memref_slice %arg3[%mul3A_6] : memref<81920xi32, #tpu.memory_space<hbm>> -> memref<2560xi32, #tpu.memory_space<hbm>>
      tpu.wait_dma2 semaphore(%run_scoped3A : memref<!tpu.dma_semaphore, #tpu.memory_space<semaphore_mem>>) src(%dma_wait3A_401 : memref<2560xi32, #tpu.memory_space<hbm>>) dst(%arg8 : memref<2560xi32, #tpu.memory_space<vmem>>)
      tpu.yield
    }) : () -> ()
    %dma_start3A = arith.constant 0 : i32
    %dma_start3A_7 = arith.constant 0 : i32
    %dma_start3A_8 = tpu.memref_slice %arg9[%dma_start3A, %dma_start3A_7] : memref<512x32xf32, #tpu.memory_space<vmem>> -> memref<128x32xf32, #tpu.memory_space<vmem>>
    %dma_start3A_9 = arith.constant 0 : i32
    %dma_start3A_10 = tpu.memref_slice %arg7[%dma_start3A_9] : memref<512xi32, #tpu.memory_space<vmem>> -> memref<128xi32, #tpu.memory_space<vmem>>
    %dma_start3A_11 = arith.constant 0 : i32
    %dma_start3A_12 = arith.constant 0 : i32
    %dma_start3A_13 = tpu.memref_slice %arg4[%dma_start3A_11, %dma_start3A_12] : memref<1000000x32xf32, #tpu.memory_space<hbm>> -> memref<1000000x32xf32, #tpu.memory_space<hbm>>
    tpu.enqueue_indirect_dma source(%dma_start3A_13 : memref<1000000x32xf32, #tpu.memory_space<hbm>>) target(%dma_start3A_8 : memref<128x32xf32, #tpu.memory_space<vmem>>) offsets(%dma_start3A_10 : memref<128xi32, #tpu.memory_space<vmem>>) semaphore(%arg12 : memref<!tpu.dma_semaphore, #tpu.memory_space<semaphore_mem>>)
    %dma_start3A_14 = arith.constant 128 : i32
    %dma_start3A_15 = arith.constant 0 : i32
    %dma_start3A_16 = tpu.memref_slice %arg9[%dma_start3A_14, %dma_start3A_15] : memref<512x32xf32, #tpu.memory_space<vmem>> -> memref<128x32xf32, #tpu.memory_space<vmem>>
    %dma_start3A_17 = arith.constant 128 : i32
    %dma_start3A_18 = tpu.memref_slice %arg7[%dma_start3A_17] : memref<512xi32, #tpu.memory_space<vmem>> -> memref<128xi32, #tpu.memory_space<vmem>>
    %dma_start3A_19 = arith.constant 0 : i32
    %dma_start3A_20 = arith.constant 0 : i32
    %dma_start3A_21 = tpu.memref_slice %arg4[%dma_start3A_19, %dma_start3A_20] : memref<1000000x32xf32, #tpu.memory_space<hbm>> -> memref<1000000x32xf32, #tpu.memory_space<hbm>>
    tpu.enqueue_indirect_dma source(%dma_start3A_21 : memref<1000000x32xf32, #tpu.memory_space<hbm>>) target(%dma_start3A_16 : memref<128x32xf32, #tpu.memory_space<vmem>>) offsets(%dma_start3A_18 : memref<128xi32, #tpu.memory_space<vmem>>) semaphore(%arg12 : memref<!tpu.dma_semaphore, #tpu.memory_space<semaphore_mem>>)
    %dma_start3A_22 = arith.constant 256 : i32
    %dma_start3A_23 = arith.constant 0 : i32
    %dma_start3A_24 = tpu.memref_slice %arg9[%dma_start3A_22, %dma_start3A_23] : memref<512x32xf32, #tpu.memory_space<vmem>> -> memref<128x32xf32, #tpu.memory_space<vmem>>
    %dma_start3A_25 = arith.constant 256 : i32
    %dma_start3A_26 = tpu.memref_slice %arg7[%dma_start3A_25] : memref<512xi32, #tpu.memory_space<vmem>> -> memref<128xi32, #tpu.memory_space<vmem>>
    %dma_start3A_27 = arith.constant 0 : i32
    %dma_start3A_28 = arith.constant 0 : i32
    %dma_start3A_29 = tpu.memref_slice %arg4[%dma_start3A_27, %dma_start3A_28] : memref<1000000x32xf32, #tpu.memory_space<hbm>> -> memref<1000000x32xf32, #tpu.memory_space<hbm>>
    tpu.enqueue_indirect_dma source(%dma_start3A_29 : memref<1000000x32xf32, #tpu.memory_space<hbm>>) target(%dma_start3A_24 : memref<128x32xf32, #tpu.memory_space<vmem>>) offsets(%dma_start3A_26 : memref<128xi32, #tpu.memory_space<vmem>>) semaphore(%arg12 : memref<!tpu.dma_semaphore, #tpu.memory_space<semaphore_mem>>)
    %dma_start3A_30 = arith.constant 384 : i32
    %dma_start3A_31 = arith.constant 0 : i32
    %dma_start3A_32 = tpu.memref_slice %arg9[%dma_start3A_30, %dma_start3A_31] : memref<512x32xf32, #tpu.memory_space<vmem>> -> memref<128x32xf32, #tpu.memory_space<vmem>>
    %dma_start3A_33 = arith.constant 384 : i32
    %dma_start3A_34 = tpu.memref_slice %arg7[%dma_start3A_33] : memref<512xi32, #tpu.memory_space<vmem>> -> memref<128xi32, #tpu.memory_space<vmem>>
    %dma_start3A_35 = arith.constant 0 : i32
    %dma_start3A_36 = arith.constant 0 : i32
    %dma_start3A_37 = tpu.memref_slice %arg4[%dma_start3A_35, %dma_start3A_36] : memref<1000000x32xf32, #tpu.memory_space<hbm>> -> memref<1000000x32xf32, #tpu.memory_space<hbm>>
    tpu.enqueue_indirect_dma source(%dma_start3A_37 : memref<1000000x32xf32, #tpu.memory_space<hbm>>) target(%dma_start3A_32 : memref<128x32xf32, #tpu.memory_space<vmem>>) offsets(%dma_start3A_34 : memref<128xi32, #tpu.memory_space<vmem>>) semaphore(%arg12 : memref<!tpu.dma_semaphore, #tpu.memory_space<semaphore_mem>>)
    %dma_start3A_38 = arith.constant 0 : i32
    %dma_start3A_39 = arith.constant 0 : i32
    %dma_start3A_40 = tpu.memref_slice %arg10[%dma_start3A_38, %dma_start3A_39] : memref<2560x32xf32, #tpu.memory_space<vmem>> -> memref<128x32xf32, #tpu.memory_space<vmem>>
    %dma_start3A_41 = arith.constant 0 : i32
    %dma_start3A_42 = tpu.memref_slice %arg8[%dma_start3A_41] : memref<2560xi32, #tpu.memory_space<vmem>> -> memref<128xi32, #tpu.memory_space<vmem>>
    %dma_start3A_43 = arith.constant 0 : i32
    %dma_start3A_44 = arith.constant 0 : i32
    %dma_start3A_45 = tpu.memref_slice %arg5[%dma_start3A_43, %dma_start3A_44] : memref<1000000x32xf32, #tpu.memory_space<hbm>> -> memref<1000000x32xf32, #tpu.memory_space<hbm>>
    tpu.enqueue_indirect_dma source(%dma_start3A_45 : memref<1000000x32xf32, #tpu.memory_space<hbm>>) target(%dma_start3A_40 : memref<128x32xf32, #tpu.memory_space<vmem>>) offsets(%dma_start3A_42 : memref<128xi32, #tpu.memory_space<vmem>>) semaphore(%arg12 : memref<!tpu.dma_semaphore, #tpu.memory_space<semaphore_mem>>)
    %dma_start3A_46 = arith.constant 128 : i32
    %dma_start3A_47 = arith.constant 0 : i32
    %dma_start3A_48 = tpu.memref_slice %arg10[%dma_start3A_46, %dma_start3A_47] : memref<2560x32xf32, #tpu.memory_space<vmem>> -> memref<128x32xf32, #tpu.memory_space<vmem>>
    %dma_start3A_49 = arith.constant 128 : i32
    %dma_start3A_50 = tpu.memref_slice %arg8[%dma_start3A_49] : memref<2560xi32, #tpu.memory_space<vmem>> -> memref<128xi32, #tpu.memory_space<vmem>>
    %dma_start3A_51 = arith.constant 0 : i32
    %dma_start3A_52 = arith.constant 0 : i32
    %dma_start3A_53 = tpu.memref_slice %arg5[%dma_start3A_51, %dma_start3A_52] : memref<1000000x32xf32, #tpu.memory_space<hbm>> -> memref<1000000x32xf32, #tpu.memory_space<hbm>>
    tpu.enqueue_indirect_dma source(%dma_start3A_53 : memref<1000000x32xf32, #tpu.memory_space<hbm>>) target(%dma_start3A_48 : memref<128x32xf32, #tpu.memory_space<vmem>>) offsets(%dma_start3A_50 : memref<128xi32, #tpu.memory_space<vmem>>) semaphore(%arg12 : memref<!tpu.dma_semaphore, #tpu.memory_space<semaphore_mem>>)
    %dma_start3A_54 = arith.constant 256 : i32
    %dma_start3A_55 = arith.constant 0 : i32
    %dma_start3A_56 = tpu.memref_slice %arg10[%dma_start3A_54, %dma_start3A_55] : memref<2560x32xf32, #tpu.memory_space<vmem>> -> memref<128x32xf32, #tpu.memory_space<vmem>>
    %dma_start3A_57 = arith.constant 256 : i32
    %dma_start3A_58 = tpu.memref_slice %arg8[%dma_start3A_57] : memref<2560xi32, #tpu.memory_space<vmem>> -> memref<128xi32, #tpu.memory_space<vmem>>
    %dma_start3A_59 = arith.constant 0 : i32
    %dma_start3A_60 = arith.constant 0 : i32
    %dma_start3A_61 = tpu.memref_slice %arg5[%dma_start3A_59, %dma_start3A_60] : memref<1000000x32xf32, #tpu.memory_space<hbm>> -> memref<1000000x32xf32, #tpu.memory_space<hbm>>
    tpu.enqueue_indirect_dma source(%dma_start3A_61 : memref<1000000x32xf32, #tpu.memory_space<hbm>>) target(%dma_start3A_56 : memref<128x32xf32, #tpu.memory_space<vmem>>) offsets(%dma_start3A_58 : memref<128xi32, #tpu.memory_space<vmem>>) semaphore(%arg12 : memref<!tpu.dma_semaphore, #tpu.memory_space<semaphore_mem>>)
    %dma_start3A_62 = arith.constant 384 : i32
    %dma_start3A_63 = arith.constant 0 : i32
    %dma_start3A_64 = tpu.memref_slice %arg10[%dma_start3A_62, %dma_start3A_63] : memref<2560x32xf32, #tpu.memory_space<vmem>> -> memref<128x32xf32, #tpu.memory_space<vmem>>
    %dma_start3A_65 = arith.constant 384 : i32
    %dma_start3A_66 = tpu.memref_slice %arg8[%dma_start3A_65] : memref<2560xi32, #tpu.memory_space<vmem>> -> memref<128xi32, #tpu.memory_space<vmem>>
    %dma_start3A_67 = arith.constant 0 : i32
    %dma_start3A_68 = arith.constant 0 : i32
    %dma_start3A_69 = tpu.memref_slice %arg5[%dma_start3A_67, %dma_start3A_68] : memref<1000000x32xf32, #tpu.memory_space<hbm>> -> memref<1000000x32xf32, #tpu.memory_space<hbm>>
    tpu.enqueue_indirect_dma source(%dma_start3A_69 : memref<1000000x32xf32, #tpu.memory_space<hbm>>) target(%dma_start3A_64 : memref<128x32xf32, #tpu.memory_space<vmem>>) offsets(%dma_start3A_66 : memref<128xi32, #tpu.memory_space<vmem>>) semaphore(%arg12 : memref<!tpu.dma_semaphore, #tpu.memory_space<semaphore_mem>>)
    %dma_start3A_70 = arith.constant 512 : i32
    %dma_start3A_71 = arith.constant 0 : i32
    %dma_start3A_72 = tpu.memref_slice %arg10[%dma_start3A_70, %dma_start3A_71] : memref<2560x32xf32, #tpu.memory_space<vmem>> -> memref<128x32xf32, #tpu.memory_space<vmem>>
    %dma_start3A_73 = arith.constant 512 : i32
    %dma_start3A_74 = tpu.memref_slice %arg8[%dma_start3A_73] : memref<2560xi32, #tpu.memory_space<vmem>> -> memref<128xi32, #tpu.memory_space<vmem>>
    %dma_start3A_75 = arith.constant 0 : i32
    %dma_start3A_76 = arith.constant 0 : i32
    %dma_start3A_77 = tpu.memref_slice %arg5[%dma_start3A_75, %dma_start3A_76] : memref<1000000x32xf32, #tpu.memory_space<hbm>> -> memref<1000000x32xf32, #tpu.memory_space<hbm>>
    tpu.enqueue_indirect_dma source(%dma_start3A_77 : memref<1000000x32xf32, #tpu.memory_space<hbm>>) target(%dma_start3A_72 : memref<128x32xf32, #tpu.memory_space<vmem>>) offsets(%dma_start3A_74 : memref<128xi32, #tpu.memory_space<vmem>>) semaphore(%arg12 : memref<!tpu.dma_semaphore, #tpu.memory_space<semaphore_mem>>)
    %dma_start3A_78 = arith.constant 640 : i32
    %dma_start3A_79 = arith.constant 0 : i32
    %dma_start3A_80 = tpu.memref_slice %arg10[%dma_start3A_78, %dma_start3A_79] : memref<2560x32xf32, #tpu.memory_space<vmem>> -> memref<128x32xf32, #tpu.memory_space<vmem>>
    %dma_start3A_81 = arith.constant 640 : i32
    %dma_start3A_82 = tpu.memref_slice %arg8[%dma_start3A_81] : memref<2560xi32, #tpu.memory_space<vmem>> -> memref<128xi32, #tpu.memory_space<vmem>>
    %dma_start3A_83 = arith.constant 0 : i32
    %dma_start3A_84 = arith.constant 0 : i32
    %dma_start3A_85 = tpu.memref_slice %arg5[%dma_start3A_83, %dma_start3A_84] : memref<1000000x32xf32, #tpu.memory_space<hbm>> -> memref<1000000x32xf32, #tpu.memory_space<hbm>>
    tpu.enqueue_indirect_dma source(%dma_start3A_85 : memref<1000000x32xf32, #tpu.memory_space<hbm>>) target(%dma_start3A_80 : memref<128x32xf32, #tpu.memory_space<vmem>>) offsets(%dma_start3A_82 : memref<128xi32, #tpu.memory_space<vmem>>) semaphore(%arg12 : memref<!tpu.dma_semaphore, #tpu.memory_space<semaphore_mem>>)
    %dma_start3A_86 = arith.constant 768 : i32
    %dma_start3A_87 = arith.constant 0 : i32
    %dma_start3A_88 = tpu.memref_slice %arg10[%dma_start3A_86, %dma_start3A_87] : memref<2560x32xf32, #tpu.memory_space<vmem>> -> memref<128x32xf32, #tpu.memory_space<vmem>>
    %dma_start3A_89 = arith.constant 768 : i32
    %dma_start3A_90 = tpu.memref_slice %arg8[%dma_start3A_89] : memref<2560xi32, #tpu.memory_space<vmem>> -> memref<128xi32, #tpu.memory_space<vmem>>
    %dma_start3A_91 = arith.constant 0 : i32
    %dma_start3A_92 = arith.constant 0 : i32
    %dma_start3A_93 = tpu.memref_slice %arg5[%dma_start3A_91, %dma_start3A_92] : memref<1000000x32xf32, #tpu.memory_space<hbm>> -> memref<1000000x32xf32, #tpu.memory_space<hbm>>
    tpu.enqueue_indirect_dma source(%dma_start3A_93 : memref<1000000x32xf32, #tpu.memory_space<hbm>>) target(%dma_start3A_88 : memref<128x32xf32, #tpu.memory_space<vmem>>) offsets(%dma_start3A_90 : memref<128xi32, #tpu.memory_space<vmem>>) semaphore(%arg12 : memref<!tpu.dma_semaphore, #tpu.memory_space<semaphore_mem>>)
    %dma_start3A_94 = arith.constant 896 : i32
    %dma_start3A_95 = arith.constant 0 : i32
    %dma_start3A_96 = tpu.memref_slice %arg10[%dma_start3A_94, %dma_start3A_95] : memref<2560x32xf32, #tpu.memory_space<vmem>> -> memref<128x32xf32, #tpu.memory_space<vmem>>
    %dma_start3A_97 = arith.constant 896 : i32
    %dma_start3A_98 = tpu.memref_slice %arg8[%dma_start3A_97] : memref<2560xi32, #tpu.memory_space<vmem>> -> memref<128xi32, #tpu.memory_space<vmem>>
    %dma_start3A_99 = arith.constant 0 : i32
    %dma_start3A_100 = arith.constant 0 : i32
    %dma_start3A_101 = tpu.memref_slice %arg5[%dma_start3A_99, %dma_start3A_100] : memref<1000000x32xf32, #tpu.memory_space<hbm>> -> memref<1000000x32xf32, #tpu.memory_space<hbm>>
    tpu.enqueue_indirect_dma source(%dma_start3A_101 : memref<1000000x32xf32, #tpu.memory_space<hbm>>) target(%dma_start3A_96 : memref<128x32xf32, #tpu.memory_space<vmem>>) offsets(%dma_start3A_98 : memref<128xi32, #tpu.memory_space<vmem>>) semaphore(%arg12 : memref<!tpu.dma_semaphore, #tpu.memory_space<semaphore_mem>>)
    %dma_start3A_102 = arith.constant 1024 : i32
    %dma_start3A_103 = arith.constant 0 : i32
    %dma_start3A_104 = tpu.memref_slice %arg10[%dma_start3A_102, %dma_start3A_103] : memref<2560x32xf32, #tpu.memory_space<vmem>> -> memref<128x32xf32, #tpu.memory_space<vmem>>
    %dma_start3A_105 = arith.constant 1024 : i32
    %dma_start3A_106 = tpu.memref_slice %arg8[%dma_start3A_105] : memref<2560xi32, #tpu.memory_space<vmem>> -> memref<128xi32, #tpu.memory_space<vmem>>
    %dma_start3A_107 = arith.constant 0 : i32
    %dma_start3A_108 = arith.constant 0 : i32
    %dma_start3A_109 = tpu.memref_slice %arg5[%dma_start3A_107, %dma_start3A_108] : memref<1000000x32xf32, #tpu.memory_space<hbm>> -> memref<1000000x32xf32, #tpu.memory_space<hbm>>
    tpu.enqueue_indirect_dma source(%dma_start3A_109 : memref<1000000x32xf32, #tpu.memory_space<hbm>>) target(%dma_start3A_104 : memref<128x32xf32, #tpu.memory_space<vmem>>) offsets(%dma_start3A_106 : memref<128xi32, #tpu.memory_space<vmem>>) semaphore(%arg12 : memref<!tpu.dma_semaphore, #tpu.memory_space<semaphore_mem>>)
    %dma_start3A_110 = arith.constant 1152 : i32
    %dma_start3A_111 = arith.constant 0 : i32
    %dma_start3A_112 = tpu.memref_slice %arg10[%dma_start3A_110, %dma_start3A_111] : memref<2560x32xf32, #tpu.memory_space<vmem>> -> memref<128x32xf32, #tpu.memory_space<vmem>>
    %dma_start3A_113 = arith.constant 1152 : i32
    %dma_start3A_114 = tpu.memref_slice %arg8[%dma_start3A_113] : memref<2560xi32, #tpu.memory_space<vmem>> -> memref<128xi32, #tpu.memory_space<vmem>>
    %dma_start3A_115 = arith.constant 0 : i32
    %dma_start3A_116 = arith.constant 0 : i32
    %dma_start3A_117 = tpu.memref_slice %arg5[%dma_start3A_115, %dma_start3A_116] : memref<1000000x32xf32, #tpu.memory_space<hbm>> -> memref<1000000x32xf32, #tpu.memory_space<hbm>>
    tpu.enqueue_indirect_dma source(%dma_start3A_117 : memref<1000000x32xf32, #tpu.memory_space<hbm>>) target(%dma_start3A_112 : memref<128x32xf32, #tpu.memory_space<vmem>>) offsets(%dma_start3A_114 : memref<128xi32, #tpu.memory_space<vmem>>) semaphore(%arg12 : memref<!tpu.dma_semaphore, #tpu.memory_space<semaphore_mem>>)
    %dma_start3A_118 = arith.constant 1280 : i32
    %dma_start3A_119 = arith.constant 0 : i32
    %dma_start3A_120 = tpu.memref_slice %arg10[%dma_start3A_118, %dma_start3A_119] : memref<2560x32xf32, #tpu.memory_space<vmem>> -> memref<128x32xf32, #tpu.memory_space<vmem>>
    %dma_start3A_121 = arith.constant 1280 : i32
    %dma_start3A_122 = tpu.memref_slice %arg8[%dma_start3A_121] : memref<2560xi32, #tpu.memory_space<vmem>> -> memref<128xi32, #tpu.memory_space<vmem>>
    %dma_start3A_123 = arith.constant 0 : i32
    %dma_start3A_124 = arith.constant 0 : i32
    %dma_start3A_125 = tpu.memref_slice %arg5[%dma_start3A_123, %dma_start3A_124] : memref<1000000x32xf32, #tpu.memory_space<hbm>> -> memref<1000000x32xf32, #tpu.memory_space<hbm>>
    tpu.enqueue_indirect_dma source(%dma_start3A_125 : memref<1000000x32xf32, #tpu.memory_space<hbm>>) target(%dma_start3A_120 : memref<128x32xf32, #tpu.memory_space<vmem>>) offsets(%dma_start3A_122 : memref<128xi32, #tpu.memory_space<vmem>>) semaphore(%arg12 : memref<!tpu.dma_semaphore, #tpu.memory_space<semaphore_mem>>)
    %dma_start3A_126 = arith.constant 1408 : i32
    %dma_start3A_127 = arith.constant 0 : i32
    %dma_start3A_128 = tpu.memref_slice %arg10[%dma_start3A_126, %dma_start3A_127] : memref<2560x32xf32, #tpu.memory_space<vmem>> -> memref<128x32xf32, #tpu.memory_space<vmem>>
    %dma_start3A_129 = arith.constant 1408 : i32
    %dma_start3A_130 = tpu.memref_slice %arg8[%dma_start3A_129] : memref<2560xi32, #tpu.memory_space<vmem>> -> memref<128xi32, #tpu.memory_space<vmem>>
    %dma_start3A_131 = arith.constant 0 : i32
    %dma_start3A_132 = arith.constant 0 : i32
    %dma_start3A_133 = tpu.memref_slice %arg5[%dma_start3A_131, %dma_start3A_132] : memref<1000000x32xf32, #tpu.memory_space<hbm>> -> memref<1000000x32xf32, #tpu.memory_space<hbm>>
    tpu.enqueue_indirect_dma source(%dma_start3A_133 : memref<1000000x32xf32, #tpu.memory_space<hbm>>) target(%dma_start3A_128 : memref<128x32xf32, #tpu.memory_space<vmem>>) offsets(%dma_start3A_130 : memref<128xi32, #tpu.memory_space<vmem>>) semaphore(%arg12 : memref<!tpu.dma_semaphore, #tpu.memory_space<semaphore_mem>>)
    %dma_start3A_134 = arith.constant 1536 : i32
    %dma_start3A_135 = arith.constant 0 : i32
    %dma_start3A_136 = tpu.memref_slice %arg10[%dma_start3A_134, %dma_start3A_135] : memref<2560x32xf32, #tpu.memory_space<vmem>> -> memref<128x32xf32, #tpu.memory_space<vmem>>
    %dma_start3A_137 = arith.constant 1536 : i32
    %dma_start3A_138 = tpu.memref_slice %arg8[%dma_start3A_137] : memref<2560xi32, #tpu.memory_space<vmem>> -> memref<128xi32, #tpu.memory_space<vmem>>
    %dma_start3A_139 = arith.constant 0 : i32
    %dma_start3A_140 = arith.constant 0 : i32
    %dma_start3A_141 = tpu.memref_slice %arg5[%dma_start3A_139, %dma_start3A_140] : memref<1000000x32xf32, #tpu.memory_space<hbm>> -> memref<1000000x32xf32, #tpu.memory_space<hbm>>
    tpu.enqueue_indirect_dma source(%dma_start3A_141 : memref<1000000x32xf32, #tpu.memory_space<hbm>>) target(%dma_start3A_136 : memref<128x32xf32, #tpu.memory_space<vmem>>) offsets(%dma_start3A_138 : memref<128xi32, #tpu.memory_space<vmem>>) semaphore(%arg12 : memref<!tpu.dma_semaphore, #tpu.memory_space<semaphore_mem>>)
    %dma_start3A_142 = arith.constant 1664 : i32
    %dma_start3A_143 = arith.constant 0 : i32
    %dma_start3A_144 = tpu.memref_slice %arg10[%dma_start3A_142, %dma_start3A_143] : memref<2560x32xf32, #tpu.memory_space<vmem>> -> memref<128x32xf32, #tpu.memory_space<vmem>>
    %dma_start3A_145 = arith.constant 1664 : i32
    %dma_start3A_146 = tpu.memref_slice %arg8[%dma_start3A_145] : memref<2560xi32, #tpu.memory_space<vmem>> -> memref<128xi32, #tpu.memory_space<vmem>>
    %dma_start3A_147 = arith.constant 0 : i32
    %dma_start3A_148 = arith.constant 0 : i32
    %dma_start3A_149 = tpu.memref_slice %arg5[%dma_start3A_147, %dma_start3A_148] : memref<1000000x32xf32, #tpu.memory_space<hbm>> -> memref<1000000x32xf32, #tpu.memory_space<hbm>>
    tpu.enqueue_indirect_dma source(%dma_start3A_149 : memref<1000000x32xf32, #tpu.memory_space<hbm>>) target(%dma_start3A_144 : memref<128x32xf32, #tpu.memory_space<vmem>>) offsets(%dma_start3A_146 : memref<128xi32, #tpu.memory_space<vmem>>) semaphore(%arg12 : memref<!tpu.dma_semaphore, #tpu.memory_space<semaphore_mem>>)
    %dma_start3A_150 = arith.constant 1792 : i32
    %dma_start3A_151 = arith.constant 0 : i32
    %dma_start3A_152 = tpu.memref_slice %arg10[%dma_start3A_150, %dma_start3A_151] : memref<2560x32xf32, #tpu.memory_space<vmem>> -> memref<128x32xf32, #tpu.memory_space<vmem>>
    %dma_start3A_153 = arith.constant 1792 : i32
    %dma_start3A_154 = tpu.memref_slice %arg8[%dma_start3A_153] : memref<2560xi32, #tpu.memory_space<vmem>> -> memref<128xi32, #tpu.memory_space<vmem>>
    %dma_start3A_155 = arith.constant 0 : i32
    %dma_start3A_156 = arith.constant 0 : i32
    %dma_start3A_157 = tpu.memref_slice %arg5[%dma_start3A_155, %dma_start3A_156] : memref<1000000x32xf32, #tpu.memory_space<hbm>> -> memref<1000000x32xf32, #tpu.memory_space<hbm>>
    tpu.enqueue_indirect_dma source(%dma_start3A_157 : memref<1000000x32xf32, #tpu.memory_space<hbm>>) target(%dma_start3A_152 : memref<128x32xf32, #tpu.memory_space<vmem>>) offsets(%dma_start3A_154 : memref<128xi32, #tpu.memory_space<vmem>>) semaphore(%arg12 : memref<!tpu.dma_semaphore, #tpu.memory_space<semaphore_mem>>)
    %dma_start3A_158 = arith.constant 1920 : i32
    %dma_start3A_159 = arith.constant 0 : i32
    %dma_start3A_160 = tpu.memref_slice %arg10[%dma_start3A_158, %dma_start3A_159] : memref<2560x32xf32, #tpu.memory_space<vmem>> -> memref<128x32xf32, #tpu.memory_space<vmem>>
    %dma_start3A_161 = arith.constant 1920 : i32
    %dma_start3A_162 = tpu.memref_slice %arg8[%dma_start3A_161] : memref<2560xi32, #tpu.memory_space<vmem>> -> memref<128xi32, #tpu.memory_space<vmem>>
    %dma_start3A_163 = arith.constant 0 : i32
    %dma_start3A_164 = arith.constant 0 : i32
    %dma_start3A_165 = tpu.memref_slice %arg5[%dma_start3A_163, %dma_start3A_164] : memref<1000000x32xf32, #tpu.memory_space<hbm>> -> memref<1000000x32xf32, #tpu.memory_space<hbm>>
    tpu.enqueue_indirect_dma source(%dma_start3A_165 : memref<1000000x32xf32, #tpu.memory_space<hbm>>) target(%dma_start3A_160 : memref<128x32xf32, #tpu.memory_space<vmem>>) offsets(%dma_start3A_162 : memref<128xi32, #tpu.memory_space<vmem>>) semaphore(%arg12 : memref<!tpu.dma_semaphore, #tpu.memory_space<semaphore_mem>>)
    %dma_start3A_166 = arith.constant 2048 : i32
    %dma_start3A_167 = arith.constant 0 : i32
    %dma_start3A_168 = tpu.memref_slice %arg10[%dma_start3A_166, %dma_start3A_167] : memref<2560x32xf32, #tpu.memory_space<vmem>> -> memref<128x32xf32, #tpu.memory_space<vmem>>
    %dma_start3A_169 = arith.constant 2048 : i32
    %dma_start3A_170 = tpu.memref_slice %arg8[%dma_start3A_169] : memref<2560xi32, #tpu.memory_space<vmem>> -> memref<128xi32, #tpu.memory_space<vmem>>
    %dma_start3A_171 = arith.constant 0 : i32
    %dma_start3A_172 = arith.constant 0 : i32
    %dma_start3A_173 = tpu.memref_slice %arg5[%dma_start3A_171, %dma_start3A_172] : memref<1000000x32xf32, #tpu.memory_space<hbm>> -> memref<1000000x32xf32, #tpu.memory_space<hbm>>
    tpu.enqueue_indirect_dma source(%dma_start3A_173 : memref<1000000x32xf32, #tpu.memory_space<hbm>>) target(%dma_start3A_168 : memref<128x32xf32, #tpu.memory_space<vmem>>) offsets(%dma_start3A_170 : memref<128xi32, #tpu.memory_space<vmem>>) semaphore(%arg12 : memref<!tpu.dma_semaphore, #tpu.memory_space<semaphore_mem>>)
    %dma_start3A_174 = arith.constant 2176 : i32
    %dma_start3A_175 = arith.constant 0 : i32
    %dma_start3A_176 = tpu.memref_slice %arg10[%dma_start3A_174, %dma_start3A_175] : memref<2560x32xf32, #tpu.memory_space<vmem>> -> memref<128x32xf32, #tpu.memory_space<vmem>>
    %dma_start3A_177 = arith.constant 2176 : i32
    %dma_start3A_178 = tpu.memref_slice %arg8[%dma_start3A_177] : memref<2560xi32, #tpu.memory_space<vmem>> -> memref<128xi32, #tpu.memory_space<vmem>>
    %dma_start3A_179 = arith.constant 0 : i32
    %dma_start3A_180 = arith.constant 0 : i32
    %dma_start3A_181 = tpu.memref_slice %arg5[%dma_start3A_179, %dma_start3A_180] : memref<1000000x32xf32, #tpu.memory_space<hbm>> -> memref<1000000x32xf32, #tpu.memory_space<hbm>>
    tpu.enqueue_indirect_dma source(%dma_start3A_181 : memref<1000000x32xf32, #tpu.memory_space<hbm>>) target(%dma_start3A_176 : memref<128x32xf32, #tpu.memory_space<vmem>>) offsets(%dma_start3A_178 : memref<128xi32, #tpu.memory_space<vmem>>) semaphore(%arg12 : memref<!tpu.dma_semaphore, #tpu.memory_space<semaphore_mem>>)
    %dma_start3A_182 = arith.constant 2304 : i32
    %dma_start3A_183 = arith.constant 0 : i32
    %dma_start3A_184 = tpu.memref_slice %arg10[%dma_start3A_182, %dma_start3A_183] : memref<2560x32xf32, #tpu.memory_space<vmem>> -> memref<128x32xf32, #tpu.memory_space<vmem>>
    %dma_start3A_185 = arith.constant 2304 : i32
    %dma_start3A_186 = tpu.memref_slice %arg8[%dma_start3A_185] : memref<2560xi32, #tpu.memory_space<vmem>> -> memref<128xi32, #tpu.memory_space<vmem>>
    %dma_start3A_187 = arith.constant 0 : i32
    %dma_start3A_188 = arith.constant 0 : i32
    %dma_start3A_189 = tpu.memref_slice %arg5[%dma_start3A_187, %dma_start3A_188] : memref<1000000x32xf32, #tpu.memory_space<hbm>> -> memref<1000000x32xf32, #tpu.memory_space<hbm>>
    tpu.enqueue_indirect_dma source(%dma_start3A_189 : memref<1000000x32xf32, #tpu.memory_space<hbm>>) target(%dma_start3A_184 : memref<128x32xf32, #tpu.memory_space<vmem>>) offsets(%dma_start3A_186 : memref<128xi32, #tpu.memory_space<vmem>>) semaphore(%arg12 : memref<!tpu.dma_semaphore, #tpu.memory_space<semaphore_mem>>)
    %dma_start3A_190 = arith.constant 2432 : i32
    %dma_start3A_191 = arith.constant 0 : i32
    %dma_start3A_192 = tpu.memref_slice %arg10[%dma_start3A_190, %dma_start3A_191] : memref<2560x32xf32, #tpu.memory_space<vmem>> -> memref<128x32xf32, #tpu.memory_space<vmem>>
    %dma_start3A_193 = arith.constant 2432 : i32
    %dma_start3A_194 = tpu.memref_slice %arg8[%dma_start3A_193] : memref<2560xi32, #tpu.memory_space<vmem>> -> memref<128xi32, #tpu.memory_space<vmem>>
    %dma_start3A_195 = arith.constant 0 : i32
    %dma_start3A_196 = arith.constant 0 : i32
    %dma_start3A_197 = tpu.memref_slice %arg5[%dma_start3A_195, %dma_start3A_196] : memref<1000000x32xf32, #tpu.memory_space<hbm>> -> memref<1000000x32xf32, #tpu.memory_space<hbm>>
    tpu.enqueue_indirect_dma source(%dma_start3A_197 : memref<1000000x32xf32, #tpu.memory_space<hbm>>) target(%dma_start3A_192 : memref<128x32xf32, #tpu.memory_space<vmem>>) offsets(%dma_start3A_194 : memref<128xi32, #tpu.memory_space<vmem>>) semaphore(%arg12 : memref<!tpu.dma_semaphore, #tpu.memory_space<semaphore_mem>>)
    %dma_wait3A = arith.constant 0 : i32
    %dma_wait3A_198 = arith.constant 0 : i32
    %dma_wait3A_199 = tpu.memref_slice %arg9[%dma_wait3A, %dma_wait3A_198] : memref<512x32xf32, #tpu.memory_space<vmem>> -> memref<128x32xf32, #tpu.memory_space<vmem>>
    %dma_wait3A_200 = arith.constant 0 : i32
    %dma_wait3A_201 = tpu.memref_slice %arg7[%dma_wait3A_200] : memref<512xi32, #tpu.memory_space<vmem>> -> memref<128xi32, #tpu.memory_space<vmem>>
    %dma_wait3A_202 = arith.constant 0 : i32
    %dma_wait3A_203 = arith.constant 0 : i32
    %dma_wait3A_204 = tpu.memref_slice %arg4[%dma_wait3A_202, %dma_wait3A_203] : memref<1000000x32xf32, #tpu.memory_space<hbm>> -> memref<1000000x32xf32, #tpu.memory_space<hbm>>
    tpu.wait_indirect_dma semaphore(%arg12 : memref<!tpu.dma_semaphore, #tpu.memory_space<semaphore_mem>>) src(%dma_wait3A_204 : memref<1000000x32xf32, #tpu.memory_space<hbm>>) dst(%dma_wait3A_199 : memref<128x32xf32, #tpu.memory_space<vmem>>)
    %dma_wait3A_205 = arith.constant 128 : i32
    %dma_wait3A_206 = arith.constant 0 : i32
    %dma_wait3A_207 = tpu.memref_slice %arg9[%dma_wait3A_205, %dma_wait3A_206] : memref<512x32xf32, #tpu.memory_space<vmem>> -> memref<128x32xf32, #tpu.memory_space<vmem>>
    %dma_wait3A_208 = arith.constant 128 : i32
    %dma_wait3A_209 = tpu.memref_slice %arg7[%dma_wait3A_208] : memref<512xi32, #tpu.memory_space<vmem>> -> memref<128xi32, #tpu.memory_space<vmem>>
    %dma_wait3A_210 = arith.constant 0 : i32
    %dma_wait3A_211 = arith.constant 0 : i32
    %dma_wait3A_212 = tpu.memref_slice %arg4[%dma_wait3A_210, %dma_wait3A_211] : memref<1000000x32xf32, #tpu.memory_space<hbm>> -> memref<1000000x32xf32, #tpu.memory_space<hbm>>
    tpu.wait_indirect_dma semaphore(%arg12 : memref<!tpu.dma_semaphore, #tpu.memory_space<semaphore_mem>>) src(%dma_wait3A_212 : memref<1000000x32xf32, #tpu.memory_space<hbm>>) dst(%dma_wait3A_207 : memref<128x32xf32, #tpu.memory_space<vmem>>)
    %dma_wait3A_213 = arith.constant 256 : i32
    %dma_wait3A_214 = arith.constant 0 : i32
    %dma_wait3A_215 = tpu.memref_slice %arg9[%dma_wait3A_213, %dma_wait3A_214] : memref<512x32xf32, #tpu.memory_space<vmem>> -> memref<128x32xf32, #tpu.memory_space<vmem>>
    %dma_wait3A_216 = arith.constant 256 : i32
    %dma_wait3A_217 = tpu.memref_slice %arg7[%dma_wait3A_216] : memref<512xi32, #tpu.memory_space<vmem>> -> memref<128xi32, #tpu.memory_space<vmem>>
    %dma_wait3A_218 = arith.constant 0 : i32
    %dma_wait3A_219 = arith.constant 0 : i32
    %dma_wait3A_220 = tpu.memref_slice %arg4[%dma_wait3A_218, %dma_wait3A_219] : memref<1000000x32xf32, #tpu.memory_space<hbm>> -> memref<1000000x32xf32, #tpu.memory_space<hbm>>
    tpu.wait_indirect_dma semaphore(%arg12 : memref<!tpu.dma_semaphore, #tpu.memory_space<semaphore_mem>>) src(%dma_wait3A_220 : memref<1000000x32xf32, #tpu.memory_space<hbm>>) dst(%dma_wait3A_215 : memref<128x32xf32, #tpu.memory_space<vmem>>)
    %dma_wait3A_221 = arith.constant 384 : i32
    %dma_wait3A_222 = arith.constant 0 : i32
    %dma_wait3A_223 = tpu.memref_slice %arg9[%dma_wait3A_221, %dma_wait3A_222] : memref<512x32xf32, #tpu.memory_space<vmem>> -> memref<128x32xf32, #tpu.memory_space<vmem>>
    %dma_wait3A_224 = arith.constant 384 : i32
    %dma_wait3A_225 = tpu.memref_slice %arg7[%dma_wait3A_224] : memref<512xi32, #tpu.memory_space<vmem>> -> memref<128xi32, #tpu.memory_space<vmem>>
    %dma_wait3A_226 = arith.constant 0 : i32
    %dma_wait3A_227 = arith.constant 0 : i32
    %dma_wait3A_228 = tpu.memref_slice %arg4[%dma_wait3A_226, %dma_wait3A_227] : memref<1000000x32xf32, #tpu.memory_space<hbm>> -> memref<1000000x32xf32, #tpu.memory_space<hbm>>
    tpu.wait_indirect_dma semaphore(%arg12 : memref<!tpu.dma_semaphore, #tpu.memory_space<semaphore_mem>>) src(%dma_wait3A_228 : memref<1000000x32xf32, #tpu.memory_space<hbm>>) dst(%dma_wait3A_223 : memref<128x32xf32, #tpu.memory_space<vmem>>)
    %dma_wait3A_229 = arith.constant 0 : i32
    %dma_wait3A_230 = arith.constant 0 : i32
    %dma_wait3A_231 = tpu.memref_slice %arg10[%dma_wait3A_229, %dma_wait3A_230] : memref<2560x32xf32, #tpu.memory_space<vmem>> -> memref<128x32xf32, #tpu.memory_space<vmem>>
    %dma_wait3A_232 = arith.constant 0 : i32
    %dma_wait3A_233 = tpu.memref_slice %arg8[%dma_wait3A_232] : memref<2560xi32, #tpu.memory_space<vmem>> -> memref<128xi32, #tpu.memory_space<vmem>>
    %dma_wait3A_234 = arith.constant 0 : i32
    %dma_wait3A_235 = arith.constant 0 : i32
    %dma_wait3A_236 = tpu.memref_slice %arg5[%dma_wait3A_234, %dma_wait3A_235] : memref<1000000x32xf32, #tpu.memory_space<hbm>> -> memref<1000000x32xf32, #tpu.memory_space<hbm>>
    tpu.wait_indirect_dma semaphore(%arg12 : memref<!tpu.dma_semaphore, #tpu.memory_space<semaphore_mem>>) src(%dma_wait3A_236 : memref<1000000x32xf32, #tpu.memory_space<hbm>>) dst(%dma_wait3A_231 : memref<128x32xf32, #tpu.memory_space<vmem>>)
    %dma_wait3A_237 = arith.constant 128 : i32
    %dma_wait3A_238 = arith.constant 0 : i32
    %dma_wait3A_239 = tpu.memref_slice %arg10[%dma_wait3A_237, %dma_wait3A_238] : memref<2560x32xf32, #tpu.memory_space<vmem>> -> memref<128x32xf32, #tpu.memory_space<vmem>>
    %dma_wait3A_240 = arith.constant 128 : i32
    %dma_wait3A_241 = tpu.memref_slice %arg8[%dma_wait3A_240] : memref<2560xi32, #tpu.memory_space<vmem>> -> memref<128xi32, #tpu.memory_space<vmem>>
    %dma_wait3A_242 = arith.constant 0 : i32
    %dma_wait3A_243 = arith.constant 0 : i32
    %dma_wait3A_244 = tpu.memref_slice %arg5[%dma_wait3A_242, %dma_wait3A_243] : memref<1000000x32xf32, #tpu.memory_space<hbm>> -> memref<1000000x32xf32, #tpu.memory_space<hbm>>
    tpu.wait_indirect_dma semaphore(%arg12 : memref<!tpu.dma_semaphore, #tpu.memory_space<semaphore_mem>>) src(%dma_wait3A_244 : memref<1000000x32xf32, #tpu.memory_space<hbm>>) dst(%dma_wait3A_239 : memref<128x32xf32, #tpu.memory_space<vmem>>)
    %dma_wait3A_245 = arith.constant 256 : i32
    %dma_wait3A_246 = arith.constant 0 : i32
    %dma_wait3A_247 = tpu.memref_slice %arg10[%dma_wait3A_245, %dma_wait3A_246] : memref<2560x32xf32, #tpu.memory_space<vmem>> -> memref<128x32xf32, #tpu.memory_space<vmem>>
    %dma_wait3A_248 = arith.constant 256 : i32
    %dma_wait3A_249 = tpu.memref_slice %arg8[%dma_wait3A_248] : memref<2560xi32, #tpu.memory_space<vmem>> -> memref<128xi32, #tpu.memory_space<vmem>>
    %dma_wait3A_250 = arith.constant 0 : i32
    %dma_wait3A_251 = arith.constant 0 : i32
    %dma_wait3A_252 = tpu.memref_slice %arg5[%dma_wait3A_250, %dma_wait3A_251] : memref<1000000x32xf32, #tpu.memory_space<hbm>> -> memref<1000000x32xf32, #tpu.memory_space<hbm>>
    tpu.wait_indirect_dma semaphore(%arg12 : memref<!tpu.dma_semaphore, #tpu.memory_space<semaphore_mem>>) src(%dma_wait3A_252 : memref<1000000x32xf32, #tpu.memory_space<hbm>>) dst(%dma_wait3A_247 : memref<128x32xf32, #tpu.memory_space<vmem>>)
    %dma_wait3A_253 = arith.constant 384 : i32
    %dma_wait3A_254 = arith.constant 0 : i32
    %dma_wait3A_255 = tpu.memref_slice %arg10[%dma_wait3A_253, %dma_wait3A_254] : memref<2560x32xf32, #tpu.memory_space<vmem>> -> memref<128x32xf32, #tpu.memory_space<vmem>>
    %dma_wait3A_256 = arith.constant 384 : i32
    %dma_wait3A_257 = tpu.memref_slice %arg8[%dma_wait3A_256] : memref<2560xi32, #tpu.memory_space<vmem>> -> memref<128xi32, #tpu.memory_space<vmem>>
    %dma_wait3A_258 = arith.constant 0 : i32
    %dma_wait3A_259 = arith.constant 0 : i32
    %dma_wait3A_260 = tpu.memref_slice %arg5[%dma_wait3A_258, %dma_wait3A_259] : memref<1000000x32xf32, #tpu.memory_space<hbm>> -> memref<1000000x32xf32, #tpu.memory_space<hbm>>
    tpu.wait_indirect_dma semaphore(%arg12 : memref<!tpu.dma_semaphore, #tpu.memory_space<semaphore_mem>>) src(%dma_wait3A_260 : memref<1000000x32xf32, #tpu.memory_space<hbm>>) dst(%dma_wait3A_255 : memref<128x32xf32, #tpu.memory_space<vmem>>)
    %dma_wait3A_261 = arith.constant 512 : i32
    %dma_wait3A_262 = arith.constant 0 : i32
    %dma_wait3A_263 = tpu.memref_slice %arg10[%dma_wait3A_261, %dma_wait3A_262] : memref<2560x32xf32, #tpu.memory_space<vmem>> -> memref<128x32xf32, #tpu.memory_space<vmem>>
    %dma_wait3A_264 = arith.constant 512 : i32
    %dma_wait3A_265 = tpu.memref_slice %arg8[%dma_wait3A_264] : memref<2560xi32, #tpu.memory_space<vmem>> -> memref<128xi32, #tpu.memory_space<vmem>>
    %dma_wait3A_266 = arith.constant 0 : i32
    %dma_wait3A_267 = arith.constant 0 : i32
    %dma_wait3A_268 = tpu.memref_slice %arg5[%dma_wait3A_266, %dma_wait3A_267] : memref<1000000x32xf32, #tpu.memory_space<hbm>> -> memref<1000000x32xf32, #tpu.memory_space<hbm>>
    tpu.wait_indirect_dma semaphore(%arg12 : memref<!tpu.dma_semaphore, #tpu.memory_space<semaphore_mem>>) src(%dma_wait3A_268 : memref<1000000x32xf32, #tpu.memory_space<hbm>>) dst(%dma_wait3A_263 : memref<128x32xf32, #tpu.memory_space<vmem>>)
    %dma_wait3A_269 = arith.constant 640 : i32
    %dma_wait3A_270 = arith.constant 0 : i32
    %dma_wait3A_271 = tpu.memref_slice %arg10[%dma_wait3A_269, %dma_wait3A_270] : memref<2560x32xf32, #tpu.memory_space<vmem>> -> memref<128x32xf32, #tpu.memory_space<vmem>>
    %dma_wait3A_272 = arith.constant 640 : i32
    %dma_wait3A_273 = tpu.memref_slice %arg8[%dma_wait3A_272] : memref<2560xi32, #tpu.memory_space<vmem>> -> memref<128xi32, #tpu.memory_space<vmem>>
    %dma_wait3A_274 = arith.constant 0 : i32
    %dma_wait3A_275 = arith.constant 0 : i32
    %dma_wait3A_276 = tpu.memref_slice %arg5[%dma_wait3A_274, %dma_wait3A_275] : memref<1000000x32xf32, #tpu.memory_space<hbm>> -> memref<1000000x32xf32, #tpu.memory_space<hbm>>
    tpu.wait_indirect_dma semaphore(%arg12 : memref<!tpu.dma_semaphore, #tpu.memory_space<semaphore_mem>>) src(%dma_wait3A_276 : memref<1000000x32xf32, #tpu.memory_space<hbm>>) dst(%dma_wait3A_271 : memref<128x32xf32, #tpu.memory_space<vmem>>)
    %dma_wait3A_277 = arith.constant 768 : i32
    %dma_wait3A_278 = arith.constant 0 : i32
    %dma_wait3A_279 = tpu.memref_slice %arg10[%dma_wait3A_277, %dma_wait3A_278] : memref<2560x32xf32, #tpu.memory_space<vmem>> -> memref<128x32xf32, #tpu.memory_space<vmem>>
    %dma_wait3A_280 = arith.constant 768 : i32
    %dma_wait3A_281 = tpu.memref_slice %arg8[%dma_wait3A_280] : memref<2560xi32, #tpu.memory_space<vmem>> -> memref<128xi32, #tpu.memory_space<vmem>>
    %dma_wait3A_282 = arith.constant 0 : i32
    %dma_wait3A_283 = arith.constant 0 : i32
    %dma_wait3A_284 = tpu.memref_slice %arg5[%dma_wait3A_282, %dma_wait3A_283] : memref<1000000x32xf32, #tpu.memory_space<hbm>> -> memref<1000000x32xf32, #tpu.memory_space<hbm>>
    tpu.wait_indirect_dma semaphore(%arg12 : memref<!tpu.dma_semaphore, #tpu.memory_space<semaphore_mem>>) src(%dma_wait3A_284 : memref<1000000x32xf32, #tpu.memory_space<hbm>>) dst(%dma_wait3A_279 : memref<128x32xf32, #tpu.memory_space<vmem>>)
    %dma_wait3A_285 = arith.constant 896 : i32
    %dma_wait3A_286 = arith.constant 0 : i32
    %dma_wait3A_287 = tpu.memref_slice %arg10[%dma_wait3A_285, %dma_wait3A_286] : memref<2560x32xf32, #tpu.memory_space<vmem>> -> memref<128x32xf32, #tpu.memory_space<vmem>>
    %dma_wait3A_288 = arith.constant 896 : i32
    %dma_wait3A_289 = tpu.memref_slice %arg8[%dma_wait3A_288] : memref<2560xi32, #tpu.memory_space<vmem>> -> memref<128xi32, #tpu.memory_space<vmem>>
    %dma_wait3A_290 = arith.constant 0 : i32
    %dma_wait3A_291 = arith.constant 0 : i32
    %dma_wait3A_292 = tpu.memref_slice %arg5[%dma_wait3A_290, %dma_wait3A_291] : memref<1000000x32xf32, #tpu.memory_space<hbm>> -> memref<1000000x32xf32, #tpu.memory_space<hbm>>
    tpu.wait_indirect_dma semaphore(%arg12 : memref<!tpu.dma_semaphore, #tpu.memory_space<semaphore_mem>>) src(%dma_wait3A_292 : memref<1000000x32xf32, #tpu.memory_space<hbm>>) dst(%dma_wait3A_287 : memref<128x32xf32, #tpu.memory_space<vmem>>)
    %dma_wait3A_293 = arith.constant 1024 : i32
    %dma_wait3A_294 = arith.constant 0 : i32
    %dma_wait3A_295 = tpu.memref_slice %arg10[%dma_wait3A_293, %dma_wait3A_294] : memref<2560x32xf32, #tpu.memory_space<vmem>> -> memref<128x32xf32, #tpu.memory_space<vmem>>
    %dma_wait3A_296 = arith.constant 1024 : i32
    %dma_wait3A_297 = tpu.memref_slice %arg8[%dma_wait3A_296] : memref<2560xi32, #tpu.memory_space<vmem>> -> memref<128xi32, #tpu.memory_space<vmem>>
    %dma_wait3A_298 = arith.constant 0 : i32
    %dma_wait3A_299 = arith.constant 0 : i32
    %dma_wait3A_300 = tpu.memref_slice %arg5[%dma_wait3A_298, %dma_wait3A_299] : memref<1000000x32xf32, #tpu.memory_space<hbm>> -> memref<1000000x32xf32, #tpu.memory_space<hbm>>
    tpu.wait_indirect_dma semaphore(%arg12 : memref<!tpu.dma_semaphore, #tpu.memory_space<semaphore_mem>>) src(%dma_wait3A_300 : memref<1000000x32xf32, #tpu.memory_space<hbm>>) dst(%dma_wait3A_295 : memref<128x32xf32, #tpu.memory_space<vmem>>)
    %dma_wait3A_301 = arith.constant 1152 : i32
    %dma_wait3A_302 = arith.constant 0 : i32
    %dma_wait3A_303 = tpu.memref_slice %arg10[%dma_wait3A_301, %dma_wait3A_302] : memref<2560x32xf32, #tpu.memory_space<vmem>> -> memref<128x32xf32, #tpu.memory_space<vmem>>
    %dma_wait3A_304 = arith.constant 1152 : i32
    %dma_wait3A_305 = tpu.memref_slice %arg8[%dma_wait3A_304] : memref<2560xi32, #tpu.memory_space<vmem>> -> memref<128xi32, #tpu.memory_space<vmem>>
    %dma_wait3A_306 = arith.constant 0 : i32
    %dma_wait3A_307 = arith.constant 0 : i32
    %dma_wait3A_308 = tpu.memref_slice %arg5[%dma_wait3A_306, %dma_wait3A_307] : memref<1000000x32xf32, #tpu.memory_space<hbm>> -> memref<1000000x32xf32, #tpu.memory_space<hbm>>
    tpu.wait_indirect_dma semaphore(%arg12 : memref<!tpu.dma_semaphore, #tpu.memory_space<semaphore_mem>>) src(%dma_wait3A_308 : memref<1000000x32xf32, #tpu.memory_space<hbm>>) dst(%dma_wait3A_303 : memref<128x32xf32, #tpu.memory_space<vmem>>)
    %dma_wait3A_309 = arith.constant 1280 : i32
    %dma_wait3A_310 = arith.constant 0 : i32
    %dma_wait3A_311 = tpu.memref_slice %arg10[%dma_wait3A_309, %dma_wait3A_310] : memref<2560x32xf32, #tpu.memory_space<vmem>> -> memref<128x32xf32, #tpu.memory_space<vmem>>
    %dma_wait3A_312 = arith.constant 1280 : i32
    %dma_wait3A_313 = tpu.memref_slice %arg8[%dma_wait3A_312] : memref<2560xi32, #tpu.memory_space<vmem>> -> memref<128xi32, #tpu.memory_space<vmem>>
    %dma_wait3A_314 = arith.constant 0 : i32
    %dma_wait3A_315 = arith.constant 0 : i32
    %dma_wait3A_316 = tpu.memref_slice %arg5[%dma_wait3A_314, %dma_wait3A_315] : memref<1000000x32xf32, #tpu.memory_space<hbm>> -> memref<1000000x32xf32, #tpu.memory_space<hbm>>
    tpu.wait_indirect_dma semaphore(%arg12 : memref<!tpu.dma_semaphore, #tpu.memory_space<semaphore_mem>>) src(%dma_wait3A_316 : memref<1000000x32xf32, #tpu.memory_space<hbm>>) dst(%dma_wait3A_311 : memref<128x32xf32, #tpu.memory_space<vmem>>)
    %dma_wait3A_317 = arith.constant 1408 : i32
    %dma_wait3A_318 = arith.constant 0 : i32
    %dma_wait3A_319 = tpu.memref_slice %arg10[%dma_wait3A_317, %dma_wait3A_318] : memref<2560x32xf32, #tpu.memory_space<vmem>> -> memref<128x32xf32, #tpu.memory_space<vmem>>
    %dma_wait3A_320 = arith.constant 1408 : i32
    %dma_wait3A_321 = tpu.memref_slice %arg8[%dma_wait3A_320] : memref<2560xi32, #tpu.memory_space<vmem>> -> memref<128xi32, #tpu.memory_space<vmem>>
    %dma_wait3A_322 = arith.constant 0 : i32
    %dma_wait3A_323 = arith.constant 0 : i32
    %dma_wait3A_324 = tpu.memref_slice %arg5[%dma_wait3A_322, %dma_wait3A_323] : memref<1000000x32xf32, #tpu.memory_space<hbm>> -> memref<1000000x32xf32, #tpu.memory_space<hbm>>
    tpu.wait_indirect_dma semaphore(%arg12 : memref<!tpu.dma_semaphore, #tpu.memory_space<semaphore_mem>>) src(%dma_wait3A_324 : memref<1000000x32xf32, #tpu.memory_space<hbm>>) dst(%dma_wait3A_319 : memref<128x32xf32, #tpu.memory_space<vmem>>)
    %dma_wait3A_325 = arith.constant 1536 : i32
    %dma_wait3A_326 = arith.constant 0 : i32
    %dma_wait3A_327 = tpu.memref_slice %arg10[%dma_wait3A_325, %dma_wait3A_326] : memref<2560x32xf32, #tpu.memory_space<vmem>> -> memref<128x32xf32, #tpu.memory_space<vmem>>
    %dma_wait3A_328 = arith.constant 1536 : i32
    %dma_wait3A_329 = tpu.memref_slice %arg8[%dma_wait3A_328] : memref<2560xi32, #tpu.memory_space<vmem>> -> memref<128xi32, #tpu.memory_space<vmem>>
    %dma_wait3A_330 = arith.constant 0 : i32
    %dma_wait3A_331 = arith.constant 0 : i32
    %dma_wait3A_332 = tpu.memref_slice %arg5[%dma_wait3A_330, %dma_wait3A_331] : memref<1000000x32xf32, #tpu.memory_space<hbm>> -> memref<1000000x32xf32, #tpu.memory_space<hbm>>
    tpu.wait_indirect_dma semaphore(%arg12 : memref<!tpu.dma_semaphore, #tpu.memory_space<semaphore_mem>>) src(%dma_wait3A_332 : memref<1000000x32xf32, #tpu.memory_space<hbm>>) dst(%dma_wait3A_327 : memref<128x32xf32, #tpu.memory_space<vmem>>)
    %dma_wait3A_333 = arith.constant 1664 : i32
    %dma_wait3A_334 = arith.constant 0 : i32
    %dma_wait3A_335 = tpu.memref_slice %arg10[%dma_wait3A_333, %dma_wait3A_334] : memref<2560x32xf32, #tpu.memory_space<vmem>> -> memref<128x32xf32, #tpu.memory_space<vmem>>
    %dma_wait3A_336 = arith.constant 1664 : i32
    %dma_wait3A_337 = tpu.memref_slice %arg8[%dma_wait3A_336] : memref<2560xi32, #tpu.memory_space<vmem>> -> memref<128xi32, #tpu.memory_space<vmem>>
    %dma_wait3A_338 = arith.constant 0 : i32
    %dma_wait3A_339 = arith.constant 0 : i32
    %dma_wait3A_340 = tpu.memref_slice %arg5[%dma_wait3A_338, %dma_wait3A_339] : memref<1000000x32xf32, #tpu.memory_space<hbm>> -> memref<1000000x32xf32, #tpu.memory_space<hbm>>
    tpu.wait_indirect_dma semaphore(%arg12 : memref<!tpu.dma_semaphore, #tpu.memory_space<semaphore_mem>>) src(%dma_wait3A_340 : memref<1000000x32xf32, #tpu.memory_space<hbm>>) dst(%dma_wait3A_335 : memref<128x32xf32, #tpu.memory_space<vmem>>)
    %dma_wait3A_341 = arith.constant 1792 : i32
    %dma_wait3A_342 = arith.constant 0 : i32
    %dma_wait3A_343 = tpu.memref_slice %arg10[%dma_wait3A_341, %dma_wait3A_342] : memref<2560x32xf32, #tpu.memory_space<vmem>> -> memref<128x32xf32, #tpu.memory_space<vmem>>
    %dma_wait3A_344 = arith.constant 1792 : i32
    %dma_wait3A_345 = tpu.memref_slice %arg8[%dma_wait3A_344] : memref<2560xi32, #tpu.memory_space<vmem>> -> memref<128xi32, #tpu.memory_space<vmem>>
    %dma_wait3A_346 = arith.constant 0 : i32
    %dma_wait3A_347 = arith.constant 0 : i32
    %dma_wait3A_348 = tpu.memref_slice %arg5[%dma_wait3A_346, %dma_wait3A_347] : memref<1000000x32xf32, #tpu.memory_space<hbm>> -> memref<1000000x32xf32, #tpu.memory_space<hbm>>
    tpu.wait_indirect_dma semaphore(%arg12 : memref<!tpu.dma_semaphore, #tpu.memory_space<semaphore_mem>>) src(%dma_wait3A_348 : memref<1000000x32xf32, #tpu.memory_space<hbm>>) dst(%dma_wait3A_343 : memref<128x32xf32, #tpu.memory_space<vmem>>)
    %dma_wait3A_349 = arith.constant 1920 : i32
    %dma_wait3A_350 = arith.constant 0 : i32
    %dma_wait3A_351 = tpu.memref_slice %arg10[%dma_wait3A_349, %dma_wait3A_350] : memref<2560x32xf32, #tpu.memory_space<vmem>> -> memref<128x32xf32, #tpu.memory_space<vmem>>
    %dma_wait3A_352 = arith.constant 1920 : i32
    %dma_wait3A_353 = tpu.memref_slice %arg8[%dma_wait3A_352] : memref<2560xi32, #tpu.memory_space<vmem>> -> memref<128xi32, #tpu.memory_space<vmem>>
    %dma_wait3A_354 = arith.constant 0 : i32
    %dma_wait3A_355 = arith.constant 0 : i32
    %dma_wait3A_356 = tpu.memref_slice %arg5[%dma_wait3A_354, %dma_wait3A_355] : memref<1000000x32xf32, #tpu.memory_space<hbm>> -> memref<1000000x32xf32, #tpu.memory_space<hbm>>
    tpu.wait_indirect_dma semaphore(%arg12 : memref<!tpu.dma_semaphore, #tpu.memory_space<semaphore_mem>>) src(%dma_wait3A_356 : memref<1000000x32xf32, #tpu.memory_space<hbm>>) dst(%dma_wait3A_351 : memref<128x32xf32, #tpu.memory_space<vmem>>)
    %dma_wait3A_357 = arith.constant 2048 : i32
    %dma_wait3A_358 = arith.constant 0 : i32
    %dma_wait3A_359 = tpu.memref_slice %arg10[%dma_wait3A_357, %dma_wait3A_358] : memref<2560x32xf32, #tpu.memory_space<vmem>> -> memref<128x32xf32, #tpu.memory_space<vmem>>
    %dma_wait3A_360 = arith.constant 2048 : i32
    %dma_wait3A_361 = tpu.memref_slice %arg8[%dma_wait3A_360] : memref<2560xi32, #tpu.memory_space<vmem>> -> memref<128xi32, #tpu.memory_space<vmem>>
    %dma_wait3A_362 = arith.constant 0 : i32
    %dma_wait3A_363 = arith.constant 0 : i32
    %dma_wait3A_364 = tpu.memref_slice %arg5[%dma_wait3A_362, %dma_wait3A_363] : memref<1000000x32xf32, #tpu.memory_space<hbm>> -> memref<1000000x32xf32, #tpu.memory_space<hbm>>
    tpu.wait_indirect_dma semaphore(%arg12 : memref<!tpu.dma_semaphore, #tpu.memory_space<semaphore_mem>>) src(%dma_wait3A_364 : memref<1000000x32xf32, #tpu.memory_space<hbm>>) dst(%dma_wait3A_359 : memref<128x32xf32, #tpu.memory_space<vmem>>)
    %dma_wait3A_365 = arith.constant 2176 : i32
    %dma_wait3A_366 = arith.constant 0 : i32
    %dma_wait3A_367 = tpu.memref_slice %arg10[%dma_wait3A_365, %dma_wait3A_366] : memref<2560x32xf32, #tpu.memory_space<vmem>> -> memref<128x32xf32, #tpu.memory_space<vmem>>
    %dma_wait3A_368 = arith.constant 2176 : i32
    %dma_wait3A_369 = tpu.memref_slice %arg8[%dma_wait3A_368] : memref<2560xi32, #tpu.memory_space<vmem>> -> memref<128xi32, #tpu.memory_space<vmem>>
    %dma_wait3A_370 = arith.constant 0 : i32
    %dma_wait3A_371 = arith.constant 0 : i32
    %dma_wait3A_372 = tpu.memref_slice %arg5[%dma_wait3A_370, %dma_wait3A_371] : memref<1000000x32xf32, #tpu.memory_space<hbm>> -> memref<1000000x32xf32, #tpu.memory_space<hbm>>
    tpu.wait_indirect_dma semaphore(%arg12 : memref<!tpu.dma_semaphore, #tpu.memory_space<semaphore_mem>>) src(%dma_wait3A_372 : memref<1000000x32xf32, #tpu.memory_space<hbm>>) dst(%dma_wait3A_367 : memref<128x32xf32, #tpu.memory_space<vmem>>)
    %dma_wait3A_373 = arith.constant 2304 : i32
    %dma_wait3A_374 = arith.constant 0 : i32
    %dma_wait3A_375 = tpu.memref_slice %arg10[%dma_wait3A_373, %dma_wait3A_374] : memref<2560x32xf32, #tpu.memory_space<vmem>> -> memref<128x32xf32, #tpu.memory_space<vmem>>
    %dma_wait3A_376 = arith.constant 2304 : i32
    %dma_wait3A_377 = tpu.memref_slice %arg8[%dma_wait3A_376] : memref<2560xi32, #tpu.memory_space<vmem>> -> memref<128xi32, #tpu.memory_space<vmem>>
    %dma_wait3A_378 = arith.constant 0 : i32
    %dma_wait3A_379 = arith.constant 0 : i32
    %dma_wait3A_380 = tpu.memref_slice %arg5[%dma_wait3A_378, %dma_wait3A_379] : memref<1000000x32xf32, #tpu.memory_space<hbm>> -> memref<1000000x32xf32, #tpu.memory_space<hbm>>
    tpu.wait_indirect_dma semaphore(%arg12 : memref<!tpu.dma_semaphore, #tpu.memory_space<semaphore_mem>>) src(%dma_wait3A_380 : memref<1000000x32xf32, #tpu.memory_space<hbm>>) dst(%dma_wait3A_375 : memref<128x32xf32, #tpu.memory_space<vmem>>)
    %dma_wait3A_381 = arith.constant 2432 : i32
    %dma_wait3A_382 = arith.constant 0 : i32
    %dma_wait3A_383 = tpu.memref_slice %arg10[%dma_wait3A_381, %dma_wait3A_382] : memref<2560x32xf32, #tpu.memory_space<vmem>> -> memref<128x32xf32, #tpu.memory_space<vmem>>
    %dma_wait3A_384 = arith.constant 2432 : i32
    %dma_wait3A_385 = tpu.memref_slice %arg8[%dma_wait3A_384] : memref<2560xi32, #tpu.memory_space<vmem>> -> memref<128xi32, #tpu.memory_space<vmem>>
    %dma_wait3A_386 = arith.constant 0 : i32
    %dma_wait3A_387 = arith.constant 0 : i32
    %dma_wait3A_388 = tpu.memref_slice %arg5[%dma_wait3A_386, %dma_wait3A_387] : memref<1000000x32xf32, #tpu.memory_space<hbm>> -> memref<1000000x32xf32, #tpu.memory_space<hbm>>
    tpu.wait_indirect_dma semaphore(%arg12 : memref<!tpu.dma_semaphore, #tpu.memory_space<semaphore_mem>>) src(%dma_wait3A_388 : memref<1000000x32xf32, #tpu.memory_space<hbm>>) dst(%dma_wait3A_383 : memref<128x32xf32, #tpu.memory_space<vmem>>)
    %iota3A = tpu.iota {dimensions = array<i32: 0>} : vector<16xi32>
    %scan3A = arith.constant 0 : i32
    %scan3A_389 = arith.constant 0 : i32
    %scan3A_390 = arith.constant 32 : i32
    %scan3A_391 = arith.addi %scan3A_389, %scan3A_390 : i32
    %scan3A_392 = arith.constant 1 : i32
    scf.for %scan3A_398 = %scan3A_389 to %scan3A_391 step %scan3A_392  : i32 {
      %mul3A_399 = arith.constant 16 : i32
      %mul3A_400 = arith.muli %scan3A_398, %mul3A_399 : i32
      %add3A_401 = vector.broadcast %mul3A_400 : i32 to vector<16xi32>
      %add3A_402 = arith.addi %add3A_401, %iota3A : vector<16xi32>
      %mul3A_403 = arith.constant 5 : i32
      %mul3A_404 = vector.broadcast %mul3A_403 : i32 to vector<16xi32>
      %mul3A_405 = arith.muli %add3A_402, %mul3A_404 : vector<16xi32>
      %broadcast_in_dim3A = arith.constant 0.000000e+00 : f32
      %broadcast_in_dim3A_406 = vector.broadcast %broadcast_in_dim3A : f32 to vector<16xf32>
      %broadcast_in_dim3A_407 = arith.constant 0.000000e+00 : f32
      %broadcast_in_dim3A_408 = vector.broadcast %broadcast_in_dim3A_407 : f32 to vector<16xf32>
      %broadcast_in_dim3A_409 = arith.constant 0.000000e+00 : f32
      %broadcast_in_dim3A_410 = vector.broadcast %broadcast_in_dim3A_409 : f32 to vector<16xf32>
      %broadcast_in_dim3A_411 = arith.constant 0.000000e+00 : f32
      %broadcast_in_dim3A_412 = vector.broadcast %broadcast_in_dim3A_411 : f32 to vector<16xf32>
      %broadcast_in_dim3A_413 = arith.constant 0.000000e+00 : f32
      %broadcast_in_dim3A_414 = vector.broadcast %broadcast_in_dim3A_413 : f32 to vector<16xf32>
      %broadcast_in_dim3A_415 = arith.constant 0 : i32
      %broadcast_in_dim3A_416 = vector.broadcast %broadcast_in_dim3A_415 : i32 to vector<16xi32>
      %gather3A = tpu.vector_load_idx %arg9[%add3A_402, %broadcast_in_dim3A_416] : memref<512x32xf32, #tpu.memory_space<vmem>>[vector<16xi32>, vector<16xi32>], vector<16xf32>,
      %add3A_417 = arith.constant 0 : i32
      %add3A_418 = vector.broadcast %add3A_417 : i32 to vector<16xi32>
      %add3A_419 = arith.addi %mul3A_405, %add3A_418 : vector<16xi32>
      %gather3A_420 = tpu.vector_load_idx %arg10[%add3A_419, %broadcast_in_dim3A_416] : memref<2560x32xf32, #tpu.memory_space<vmem>>[vector<16xi32>, vector<16xi32>], vector<16xf32>,
      %mul3A_421 = arith.mulf %gather3A, %gather3A_420 : vector<16xf32>
      %add3A_422 = arith.addf %broadcast_in_dim3A_406, %mul3A_421 : vector<16xf32>
      %add3A_423 = arith.constant 1 : i32
      %add3A_424 = vector.broadcast %add3A_423 : i32 to vector<16xi32>
      %add3A_425 = arith.addi %mul3A_405, %add3A_424 : vector<16xi32>
      %gather3A_426 = tpu.vector_load_idx %arg10[%add3A_425, %broadcast_in_dim3A_416] : memref<2560x32xf32, #tpu.memory_space<vmem>>[vector<16xi32>, vector<16xi32>], vector<16xf32>,
      %mul3A_427 = arith.mulf %gather3A, %gather3A_426 : vector<16xf32>
      %add3A_428 = arith.addf %broadcast_in_dim3A_408, %mul3A_427 : vector<16xf32>
      %add3A_429 = arith.constant 2 : i32
      %add3A_430 = vector.broadcast %add3A_429 : i32 to vector<16xi32>
      %add3A_431 = arith.addi %mul3A_405, %add3A_430 : vector<16xi32>
      %gather3A_432 = tpu.vector_load_idx %arg10[%add3A_431, %broadcast_in_dim3A_416] : memref<2560x32xf32, #tpu.memory_space<vmem>>[vector<16xi32>, vector<16xi32>], vector<16xf32>,
      %mul3A_433 = arith.mulf %gather3A, %gather3A_432 : vector<16xf32>
      %add3A_434 = arith.addf %broadcast_in_dim3A_410, %mul3A_433 : vector<16xf32>
      %add3A_435 = arith.constant 3 : i32
      %add3A_436 = vector.broadcast %add3A_435 : i32 to vector<16xi32>
      %add3A_437 = arith.addi %mul3A_405, %add3A_436 : vector<16xi32>
      %gather3A_438 = tpu.vector_load_idx %arg10[%add3A_437, %broadcast_in_dim3A_416] : memref<2560x32xf32, #tpu.memory_space<vmem>>[vector<16xi32>, vector<16xi32>], vector<16xf32>,
      %mul3A_439 = arith.mulf %gather3A, %gather3A_438 : vector<16xf32>
      %add3A_440 = arith.addf %broadcast_in_dim3A_412, %mul3A_439 : vector<16xf32>
      %add3A_441 = arith.constant 4 : i32
      %add3A_442 = vector.broadcast %add3A_441 : i32 to vector<16xi32>
      %add3A_443 = arith.addi %mul3A_405, %add3A_442 : vector<16xi32>
      %gather3A_444 = tpu.vector_load_idx %arg10[%add3A_443, %broadcast_in_dim3A_416] : memref<2560x32xf32, #tpu.memory_space<vmem>>[vector<16xi32>, vector<16xi32>], vector<16xf32>,
      %mul3A_445 = arith.mulf %gather3A, %gather3A_444 : vector<16xf32>
      %add3A_446 = arith.addf %broadcast_in_dim3A_414, %mul3A_445 : vector<16xf32>
      %broadcast_in_dim3A_447 = arith.constant 1 : i32
      %broadcast_in_dim3A_448 = vector.broadcast %broadcast_in_dim3A_447 : i32 to vector<16xi32>
      %gather3A_449 = tpu.vector_load_idx %arg9[%add3A_402, %broadcast_in_dim3A_448] : memref<512x32xf32, #tpu.memory_space<vmem>>[vector<16xi32>, vector<16xi32>], vector<16xf32>,
      %add3A_450 = arith.constant 0 : i32
      %add3A_451 = vector.broadcast %add3A_450 : i32 to vector<16xi32>
      %add3A_452 = arith.addi %mul3A_405, %add3A_451 : vector<16xi32>
      %gather3A_453 = tpu.vector_load_idx %arg10[%add3A_452, %broadcast_in_dim3A_448] : memref<2560x32xf32, #tpu.memory_space<vmem>>[vector<16xi32>, vector<16xi32>], vector<16xf32>,
      %mul3A_454 = arith.mulf %gather3A_449, %gather3A_453 : vector<16xf32>
      %add3A_455 = arith.addf %add3A_422, %mul3A_454 : vector<16xf32>
      %add3A_456 = arith.constant 1 : i32
      %add3A_457 = vector.broadcast %add3A_456 : i32 to vector<16xi32>
      %add3A_458 = arith.addi %mul3A_405, %add3A_457 : vector<16xi32>
      %gather3A_459 = tpu.vector_load_idx %arg10[%add3A_458, %broadcast_in_dim3A_448] : memref<2560x32xf32, #tpu.memory_space<vmem>>[vector<16xi32>, vector<16xi32>], vector<16xf32>,
      %mul3A_460 = arith.mulf %gather3A_449, %gather3A_459 : vector<16xf32>
      %add3A_461 = arith.addf %add3A_428, %mul3A_460 : vector<16xf32>
      %add3A_462 = arith.constant 2 : i32
      %add3A_463 = vector.broadcast %add3A_462 : i32 to vector<16xi32>
      %add3A_464 = arith.addi %mul3A_405, %add3A_463 : vector<16xi32>
      %gather3A_465 = tpu.vector_load_idx %arg10[%add3A_464, %broadcast_in_dim3A_448] : memref<2560x32xf32, #tpu.memory_space<vmem>>[vector<16xi32>, vector<16xi32>], vector<16xf32>,
      %mul3A_466 = arith.mulf %gather3A_449, %gather3A_465 : vector<16xf32>
      %add3A_467 = arith.addf %add3A_434, %mul3A_466 : vector<16xf32>
      %add3A_468 = arith.constant 3 : i32
      %add3A_469 = vector.broadcast %add3A_468 : i32 to vector<16xi32>
      %add3A_470 = arith.addi %mul3A_405, %add3A_469 : vector<16xi32>
      %gather3A_471 = tpu.vector_load_idx %arg10[%add3A_470, %broadcast_in_dim3A_448] : memref<2560x32xf32, #tpu.memory_space<vmem>>[vector<16xi32>, vector<16xi32>], vector<16xf32>,
      %mul3A_472 = arith.mulf %gather3A_449, %gather3A_471 : vector<16xf32>
      %add3A_473 = arith.addf %add3A_440, %mul3A_472 : vector<16xf32>
      %add3A_474 = arith.constant 4 : i32
      %add3A_475 = vector.broadcast %add3A_474 : i32 to vector<16xi32>
      %add3A_476 = arith.addi %mul3A_405, %add3A_475 : vector<16xi32>
      %gather3A_477 = tpu.vector_load_idx %arg10[%add3A_476, %broadcast_in_dim3A_448] : memref<2560x32xf32, #tpu.memory_space<vmem>>[vector<16xi32>, vector<16xi32>], vector<16xf32>,
      %mul3A_478 = arith.mulf %gather3A_449, %gather3A_477 : vector<16xf32>
      %add3A_479 = arith.addf %add3A_446, %mul3A_478 : vector<16xf32>
      %broadcast_in_dim3A_480 = arith.constant 2 : i32
      %broadcast_in_dim3A_481 = vector.broadcast %broadcast_in_dim3A_480 : i32 to vector<16xi32>
      %gather3A_482 = tpu.vector_load_idx %arg9[%add3A_402, %broadcast_in_dim3A_481] : memref<512x32xf32, #tpu.memory_space<vmem>>[vector<16xi32>, vector<16xi32>], vector<16xf32>,
      %add3A_483 = arith.constant 0 : i32
      %add3A_484 = vector.broadcast %add3A_483 : i32 to vector<16xi32>
      %add3A_485 = arith.addi %mul3A_405, %add3A_484 : vector<16xi32>
      %gather3A_486 = tpu.vector_load_idx %arg10[%add3A_485, %broadcast_in_dim3A_481] : memref<2560x32xf32, #tpu.memory_space<vmem>>[vector<16xi32>, vector<16xi32>], vector<16xf32>,
      %mul3A_487 = arith.mulf %gather3A_482, %gather3A_486 : vector<16xf32>
      %add3A_488 = arith.addf %add3A_455, %mul3A_487 : vector<16xf32>
      %add3A_489 = arith.constant 1 : i32
      %add3A_490 = vector.broadcast %add3A_489 : i32 to vector<16xi32>
      %add3A_491 = arith.addi %mul3A_405, %add3A_490 : vector<16xi32>
      %gather3A_492 = tpu.vector_load_idx %arg10[%add3A_491, %broadcast_in_dim3A_481] : memref<2560x32xf32, #tpu.memory_space<vmem>>[vector<16xi32>, vector<16xi32>], vector<16xf32>,
      %mul3A_493 = arith.mulf %gather3A_482, %gather3A_492 : vector<16xf32>
      %add3A_494 = arith.addf %add3A_461, %mul3A_493 : vector<16xf32>
      %add3A_495 = arith.constant 2 : i32
      %add3A_496 = vector.broadcast %add3A_495 : i32 to vector<16xi32>
      %add3A_497 = arith.addi %mul3A_405, %add3A_496 : vector<16xi32>
      %gather3A_498 = tpu.vector_load_idx %arg10[%add3A_497, %broadcast_in_dim3A_481] : memref<2560x32xf32, #tpu.memory_space<vmem>>[vector<16xi32>, vector<16xi32>], vector<16xf32>,
      %mul3A_499 = arith.mulf %gather3A_482, %gather3A_498 : vector<16xf32>
      %add3A_500 = arith.addf %add3A_467, %mul3A_499 : vector<16xf32>
      %add3A_501 = arith.constant 3 : i32
      %add3A_502 = vector.broadcast %add3A_501 : i32 to vector<16xi32>
      %add3A_503 = arith.addi %mul3A_405, %add3A_502 : vector<16xi32>
      %gather3A_504 = tpu.vector_load_idx %arg10[%add3A_503, %broadcast_in_dim3A_481] : memref<2560x32xf32, #tpu.memory_space<vmem>>[vector<16xi32>, vector<16xi32>], vector<16xf32>,
      %mul3A_505 = arith.mulf %gather3A_482, %gather3A_504 : vector<16xf32>
      %add3A_506 = arith.addf %add3A_473, %mul3A_505 : vector<16xf32>
      %add3A_507 = arith.constant 4 : i32
      %add3A_508 = vector.broadcast %add3A_507 : i32 to vector<16xi32>
      %add3A_509 = arith.addi %mul3A_405, %add3A_508 : vector<16xi32>
      %gather3A_510 = tpu.vector_load_idx %arg10[%add3A_509, %broadcast_in_dim3A_481] : memref<2560x32xf32, #tpu.memory_space<vmem>>[vector<16xi32>, vector<16xi32>], vector<16xf32>,
      %mul3A_511 = arith.mulf %gather3A_482, %gather3A_510 : vector<16xf32>
      %add3A_512 = arith.addf %add3A_479, %mul3A_511 : vector<16xf32>
      %broadcast_in_dim3A_513 = arith.constant 3 : i32
      %broadcast_in_dim3A_514 = vector.broadcast %broadcast_in_dim3A_513 : i32 to vector<16xi32>
      %gather3A_515 = tpu.vector_load_idx %arg9[%add3A_402, %broadcast_in_dim3A_514] : memref<512x32xf32, #tpu.memory_space<vmem>>[vector<16xi32>, vector<16xi32>], vector<16xf32>,
      %add3A_516 = arith.constant 0 : i32
      %add3A_517 = vector.broadcast %add3A_516 : i32 to vector<16xi32>
      %add3A_518 = arith.addi %mul3A_405, %add3A_517 : vector<16xi32>
      %gather3A_519 = tpu.vector_load_idx %arg10[%add3A_518, %broadcast_in_dim3A_514] : memref<2560x32xf32, #tpu.memory_space<vmem>>[vector<16xi32>, vector<16xi32>], vector<16xf32>,
      %mul3A_520 = arith.mulf %gather3A_515, %gather3A_519 : vector<16xf32>
      %add3A_521 = arith.addf %add3A_488, %mul3A_520 : vector<16xf32>
      %add3A_522 = arith.constant 1 : i32
      %add3A_523 = vector.broadcast %add3A_522 : i32 to vector<16xi32>
      %add3A_524 = arith.addi %mul3A_405, %add3A_523 : vector<16xi32>
      %gather3A_525 = tpu.vector_load_idx %arg10[%add3A_524, %broadcast_in_dim3A_514] : memref<2560x32xf32, #tpu.memory_space<vmem>>[vector<16xi32>, vector<16xi32>], vector<16xf32>,
      %mul3A_526 = arith.mulf %gather3A_515, %gather3A_525 : vector<16xf32>
      %add3A_527 = arith.addf %add3A_494, %mul3A_526 : vector<16xf32>
      %add3A_528 = arith.constant 2 : i32
      %add3A_529 = vector.broadcast %add3A_528 : i32 to vector<16xi32>
      %add3A_530 = arith.addi %mul3A_405, %add3A_529 : vector<16xi32>
      %gather3A_531 = tpu.vector_load_idx %arg10[%add3A_530, %broadcast_in_dim3A_514] : memref<2560x32xf32, #tpu.memory_space<vmem>>[vector<16xi32>, vector<16xi32>], vector<16xf32>,
      %mul3A_532 = arith.mulf %gather3A_515, %gather3A_531 : vector<16xf32>
      %add3A_533 = arith.addf %add3A_500, %mul3A_532 : vector<16xf32>
      %add3A_534 = arith.constant 3 : i32
      %add3A_535 = vector.broadcast %add3A_534 : i32 to vector<16xi32>
      %add3A_536 = arith.addi %mul3A_405, %add3A_535 : vector<16xi32>
      %gather3A_537 = tpu.vector_load_idx %arg10[%add3A_536, %broadcast_in_dim3A_514] : memref<2560x32xf32, #tpu.memory_space<vmem>>[vector<16xi32>, vector<16xi32>], vector<16xf32>,
      %mul3A_538 = arith.mulf %gather3A_515, %gather3A_537 : vector<16xf32>
      %add3A_539 = arith.addf %add3A_506, %mul3A_538 : vector<16xf32>
      %add3A_540 = arith.constant 4 : i32
      %add3A_541 = vector.broadcast %add3A_540 : i32 to vector<16xi32>
      %add3A_542 = arith.addi %mul3A_405, %add3A_541 : vector<16xi32>
      %gather3A_543 = tpu.vector_load_idx %arg10[%add3A_542, %broadcast_in_dim3A_514] : memref<2560x32xf32, #tpu.memory_space<vmem>>[vector<16xi32>, vector<16xi32>], vector<16xf32>,
      %mul3A_544 = arith.mulf %gather3A_515, %gather3A_543 : vector<16xf32>
      %add3A_545 = arith.addf %add3A_512, %mul3A_544 : vector<16xf32>
      %broadcast_in_dim3A_546 = arith.constant 4 : i32
      %broadcast_in_dim3A_547 = vector.broadcast %broadcast_in_dim3A_546 : i32 to vector<16xi32>
      %gather3A_548 = tpu.vector_load_idx %arg9[%add3A_402, %broadcast_in_dim3A_547] : memref<512x32xf32, #tpu.memory_space<vmem>>[vector<16xi32>, vector<16xi32>], vector<16xf32>,
      %add3A_549 = arith.constant 0 : i32
      %add3A_550 = vector.broadcast %add3A_549 : i32 to vector<16xi32>
      %add3A_551 = arith.addi %mul3A_405, %add3A_550 : vector<16xi32>
      %gather3A_552 = tpu.vector_load_idx %arg10[%add3A_551, %broadcast_in_dim3A_547] : memref<2560x32xf32, #tpu.memory_space<vmem>>[vector<16xi32>, vector<16xi32>], vector<16xf32>,
      %mul3A_553 = arith.mulf %gather3A_548, %gather3A_552 : vector<16xf32>
      %add3A_554 = arith.addf %add3A_521, %mul3A_553 : vector<16xf32>
      %add3A_555 = arith.constant 1 : i32
      %add3A_556 = vector.broadcast %add3A_555 : i32 to vector<16xi32>
      %add3A_557 = arith.addi %mul3A_405, %add3A_556 : vector<16xi32>
      %gather3A_558 = tpu.vector_load_idx %arg10[%add3A_557, %broadcast_in_dim3A_547] : memref<2560x32xf32, #tpu.memory_space<vmem>>[vector<16xi32>, vector<16xi32>], vector<16xf32>,
      %mul3A_559 = arith.mulf %gather3A_548, %gather3A_558 : vector<16xf32>
      %add3A_560 = arith.addf %add3A_527, %mul3A_559 : vector<16xf32>
      %add3A_561 = arith.constant 2 : i32
      %add3A_562 = vector.broadcast %add3A_561 : i32 to vector<16xi32>
      %add3A_563 = arith.addi %mul3A_405, %add3A_562 : vector<16xi32>
      %gather3A_564 = tpu.vector_load_idx %arg10[%add3A_563, %broadcast_in_dim3A_547] : memref<2560x32xf32, #tpu.memory_space<vmem>>[vector<16xi32>, vector<16xi32>], vector<16xf32>,
      %mul3A_565 = arith.mulf %gather3A_548, %gather3A_564 : vector<16xf32>
      %add3A_566 = arith.addf %add3A_533, %mul3A_565 : vector<16xf32>
      %add3A_567 = arith.constant 3 : i32
      %add3A_568 = vector.broadcast %add3A_567 : i32 to vector<16xi32>
      %add3A_569 = arith.addi %mul3A_405, %add3A_568 : vector<16xi32>
      %gather3A_570 = tpu.vector_load_idx %arg10[%add3A_569, %broadcast_in_dim3A_547] : memref<2560x32xf32, #tpu.memory_space<vmem>>[vector<16xi32>, vector<16xi32>], vector<16xf32>,
      %mul3A_571 = arith.mulf %gather3A_548, %gather3A_570 : vector<16xf32>
      %add3A_572 = arith.addf %add3A_539, %mul3A_571 : vector<16xf32>
      %add3A_573 = arith.constant 4 : i32
      %add3A_574 = vector.broadcast %add3A_573 : i32 to vector<16xi32>
      %add3A_575 = arith.addi %mul3A_405, %add3A_574 : vector<16xi32>
      %gather3A_576 = tpu.vector_load_idx %arg10[%add3A_575, %broadcast_in_dim3A_547] : memref<2560x32xf32, #tpu.memory_space<vmem>>[vector<16xi32>, vector<16xi32>], vector<16xf32>,
      %mul3A_577 = arith.mulf %gather3A_548, %gather3A_576 : vector<16xf32>
      %add3A_578 = arith.addf %add3A_545, %mul3A_577 : vector<16xf32>
      %broadcast_in_dim3A_579 = arith.constant 5 : i32
      %broadcast_in_dim3A_580 = vector.broadcast %broadcast_in_dim3A_579 : i32 to vector<16xi32>
      %gather3A_581 = tpu.vector_load_idx %arg9[%add3A_402, %broadcast_in_dim3A_580] : memref<512x32xf32, #tpu.memory_space<vmem>>[vector<16xi32>, vector<16xi32>], vector<16xf32>,
      %add3A_582 = arith.constant 0 : i32
      %add3A_583 = vector.broadcast %add3A_582 : i32 to vector<16xi32>
      %add3A_584 = arith.addi %mul3A_405, %add3A_583 : vector<16xi32>
      %gather3A_585 = tpu.vector_load_idx %arg10[%add3A_584, %broadcast_in_dim3A_580] : memref<2560x32xf32, #tpu.memory_space<vmem>>[vector<16xi32>, vector<16xi32>], vector<16xf32>,
      %mul3A_586 = arith.mulf %gather3A_581, %gather3A_585 : vector<16xf32>
      %add3A_587 = arith.addf %add3A_554, %mul3A_586 : vector<16xf32>
      %add3A_588 = arith.constant 1 : i32
      %add3A_589 = vector.broadcast %add3A_588 : i32 to vector<16xi32>
      %add3A_590 = arith.addi %mul3A_405, %add3A_589 : vector<16xi32>
      %gather3A_591 = tpu.vector_load_idx %arg10[%add3A_590, %broadcast_in_dim3A_580] : memref<2560x32xf32, #tpu.memory_space<vmem>>[vector<16xi32>, vector<16xi32>], vector<16xf32>,
      %mul3A_592 = arith.mulf %gather3A_581, %gather3A_591 : vector<16xf32>
      %add3A_593 = arith.addf %add3A_560, %mul3A_592 : vector<16xf32>
      %add3A_594 = arith.constant 2 : i32
      %add3A_595 = vector.broadcast %add3A_594 : i32 to vector<16xi32>
      %add3A_596 = arith.addi %mul3A_405, %add3A_595 : vector<16xi32>
      %gather3A_597 = tpu.vector_load_idx %arg10[%add3A_596, %broadcast_in_dim3A_580] : memref<2560x32xf32, #tpu.memory_space<vmem>>[vector<16xi32>, vector<16xi32>], vector<16xf32>,
      %mul3A_598 = arith.mulf %gather3A_581, %gather3A_597 : vector<16xf32>
      %add3A_599 = arith.addf %add3A_566, %mul3A_598 : vector<16xf32>
      %add3A_600 = arith.constant 3 : i32
      %add3A_601 = vector.broadcast %add3A_600 : i32 to vector<16xi32>
      %add3A_602 = arith.addi %mul3A_405, %add3A_601 : vector<16xi32>
      %gather3A_603 = tpu.vector_load_idx %arg10[%add3A_602, %broadcast_in_dim3A_580] : memref<2560x32xf32, #tpu.memory_space<vmem>>[vector<16xi32>, vector<16xi32>], vector<16xf32>,
      %mul3A_604 = arith.mulf %gather3A_581, %gather3A_603 : vector<16xf32>
      %add3A_605 = arith.addf %add3A_572, %mul3A_604 : vector<16xf32>
      %add3A_606 = arith.constant 4 : i32
      %add3A_607 = vector.broadcast %add3A_606 : i32 to vector<16xi32>
      %add3A_608 = arith.addi %mul3A_405, %add3A_607 : vector<16xi32>
      %gather3A_609 = tpu.vector_load_idx %arg10[%add3A_608, %broadcast_in_dim3A_580] : memref<2560x32xf32, #tpu.memory_space<vmem>>[vector<16xi32>, vector<16xi32>], vector<16xf32>,
      %mul3A_610 = arith.mulf %gather3A_581, %gather3A_609 : vector<16xf32>
      %add3A_611 = arith.addf %add3A_578, %mul3A_610 : vector<16xf32>
      %broadcast_in_dim3A_612 = arith.constant 6 : i32
      %broadcast_in_dim3A_613 = vector.broadcast %broadcast_in_dim3A_612 : i32 to vector<16xi32>
      %gather3A_614 = tpu.vector_load_idx %arg9[%add3A_402, %broadcast_in_dim3A_613] : memref<512x32xf32, #tpu.memory_space<vmem>>[vector<16xi32>, vector<16xi32>], vector<16xf32>,
      %add3A_615 = arith.constant 0 : i32
      %add3A_616 = vector.broadcast %add3A_615 : i32 to vector<16xi32>
      %add3A_617 = arith.addi %mul3A_405, %add3A_616 : vector<16xi32>
      %gather3A_618 = tpu.vector_load_idx %arg10[%add3A_617, %broadcast_in_dim3A_613] : memref<2560x32xf32, #tpu.memory_space<vmem>>[vector<16xi32>, vector<16xi32>], vector<16xf32>,
      %mul3A_619 = arith.mulf %gather3A_614, %gather3A_618 : vector<16xf32>
      %add3A_620 = arith.addf %add3A_587, %mul3A_619 : vector<16xf32>
      %add3A_621 = arith.constant 1 : i32
      %add3A_622 = vector.broadcast %add3A_621 : i32 to vector<16xi32>
      %add3A_623 = arith.addi %mul3A_405, %add3A_622 : vector<16xi32>
      %gather3A_624 = tpu.vector_load_idx %arg10[%add3A_623, %broadcast_in_dim3A_613] : memref<2560x32xf32, #tpu.memory_space<vmem>>[vector<16xi32>, vector<16xi32>], vector<16xf32>,
      %mul3A_625 = arith.mulf %gather3A_614, %gather3A_624 : vector<16xf32>
      %add3A_626 = arith.addf %add3A_593, %mul3A_625 : vector<16xf32>
      %add3A_627 = arith.constant 2 : i32
      %add3A_628 = vector.broadcast %add3A_627 : i32 to vector<16xi32>
      %add3A_629 = arith.addi %mul3A_405, %add3A_628 : vector<16xi32>
      %gather3A_630 = tpu.vector_load_idx %arg10[%add3A_629, %broadcast_in_dim3A_613] : memref<2560x32xf32, #tpu.memory_space<vmem>>[vector<16xi32>, vector<16xi32>], vector<16xf32>,
      %mul3A_631 = arith.mulf %gather3A_614, %gather3A_630 : vector<16xf32>
      %add3A_632 = arith.addf %add3A_599, %mul3A_631 : vector<16xf32>
      %add3A_633 = arith.constant 3 : i32
      %add3A_634 = vector.broadcast %add3A_633 : i32 to vector<16xi32>
      %add3A_635 = arith.addi %mul3A_405, %add3A_634 : vector<16xi32>
      %gather3A_636 = tpu.vector_load_idx %arg10[%add3A_635, %broadcast_in_dim3A_613] : memref<2560x32xf32, #tpu.memory_space<vmem>>[vector<16xi32>, vector<16xi32>], vector<16xf32>,
      %mul3A_637 = arith.mulf %gather3A_614, %gather3A_636 : vector<16xf32>
      %add3A_638 = arith.addf %add3A_605, %mul3A_637 : vector<16xf32>
      %add3A_639 = arith.constant 4 : i32
      %add3A_640 = vector.broadcast %add3A_639 : i32 to vector<16xi32>
      %add3A_641 = arith.addi %mul3A_405, %add3A_640 : vector<16xi32>
      %gather3A_642 = tpu.vector_load_idx %arg10[%add3A_641, %broadcast_in_dim3A_613] : memref<2560x32xf32, #tpu.memory_space<vmem>>[vector<16xi32>, vector<16xi32>], vector<16xf32>,
      %mul3A_643 = arith.mulf %gather3A_614, %gather3A_642 : vector<16xf32>
      %add3A_644 = arith.addf %add3A_611, %mul3A_643 : vector<16xf32>
      %broadcast_in_dim3A_645 = arith.constant 7 : i32
      %broadcast_in_dim3A_646 = vector.broadcast %broadcast_in_dim3A_645 : i32 to vector<16xi32>
      %gather3A_647 = tpu.vector_load_idx %arg9[%add3A_402, %broadcast_in_dim3A_646] : memref<512x32xf32, #tpu.memory_space<vmem>>[vector<16xi32>, vector<16xi32>], vector<16xf32>,
      %add3A_648 = arith.constant 0 : i32
      %add3A_649 = vector.broadcast %add3A_648 : i32 to vector<16xi32>
      %add3A_650 = arith.addi %mul3A_405, %add3A_649 : vector<16xi32>
      %gather3A_651 = tpu.vector_load_idx %arg10[%add3A_650, %broadcast_in_dim3A_646] : memref<2560x32xf32, #tpu.memory_space<vmem>>[vector<16xi32>, vector<16xi32>], vector<16xf32>,
      %mul3A_652 = arith.mulf %gather3A_647, %gather3A_651 : vector<16xf32>
      %add3A_653 = arith.addf %add3A_620, %mul3A_652 : vector<16xf32>
      %add3A_654 = arith.constant 1 : i32
      %add3A_655 = vector.broadcast %add3A_654 : i32 to vector<16xi32>
      %add3A_656 = arith.addi %mul3A_405, %add3A_655 : vector<16xi32>
      %gather3A_657 = tpu.vector_load_idx %arg10[%add3A_656, %broadcast_in_dim3A_646] : memref<2560x32xf32, #tpu.memory_space<vmem>>[vector<16xi32>, vector<16xi32>], vector<16xf32>,
      %mul3A_658 = arith.mulf %gather3A_647, %gather3A_657 : vector<16xf32>
      %add3A_659 = arith.addf %add3A_626, %mul3A_658 : vector<16xf32>
      %add3A_660 = arith.constant 2 : i32
      %add3A_661 = vector.broadcast %add3A_660 : i32 to vector<16xi32>
      %add3A_662 = arith.addi %mul3A_405, %add3A_661 : vector<16xi32>
      %gather3A_663 = tpu.vector_load_idx %arg10[%add3A_662, %broadcast_in_dim3A_646] : memref<2560x32xf32, #tpu.memory_space<vmem>>[vector<16xi32>, vector<16xi32>], vector<16xf32>,
      %mul3A_664 = arith.mulf %gather3A_647, %gather3A_663 : vector<16xf32>
      %add3A_665 = arith.addf %add3A_632, %mul3A_664 : vector<16xf32>
      %add3A_666 = arith.constant 3 : i32
      %add3A_667 = vector.broadcast %add3A_666 : i32 to vector<16xi32>
      %add3A_668 = arith.addi %mul3A_405, %add3A_667 : vector<16xi32>
      %gather3A_669 = tpu.vector_load_idx %arg10[%add3A_668, %broadcast_in_dim3A_646] : memref<2560x32xf32, #tpu.memory_space<vmem>>[vector<16xi32>, vector<16xi32>], vector<16xf32>,
      %mul3A_670 = arith.mulf %gather3A_647, %gather3A_669 : vector<16xf32>
      %add3A_671 = arith.addf %add3A_638, %mul3A_670 : vector<16xf32>
      %add3A_672 = arith.constant 4 : i32
      %add3A_673 = vector.broadcast %add3A_672 : i32 to vector<16xi32>
      %add3A_674 = arith.addi %mul3A_405, %add3A_673 : vector<16xi32>
      %gather3A_675 = tpu.vector_load_idx %arg10[%add3A_674, %broadcast_in_dim3A_646] : memref<2560x32xf32, #tpu.memory_space<vmem>>[vector<16xi32>, vector<16xi32>], vector<16xf32>,
      %mul3A_676 = arith.mulf %gather3A_647, %gather3A_675 : vector<16xf32>
      %add3A_677 = arith.addf %add3A_644, %mul3A_676 : vector<16xf32>
      %broadcast_in_dim3A_678 = arith.constant 8 : i32
      %broadcast_in_dim3A_679 = vector.broadcast %broadcast_in_dim3A_678 : i32 to vector<16xi32>
      %gather3A_680 = tpu.vector_load_idx %arg9[%add3A_402, %broadcast_in_dim3A_679] : memref<512x32xf32, #tpu.memory_space<vmem>>[vector<16xi32>, vector<16xi32>], vector<16xf32>,
      %add3A_681 = arith.constant 0 : i32
      %add3A_682 = vector.broadcast %add3A_681 : i32 to vector<16xi32>
      %add3A_683 = arith.addi %mul3A_405, %add3A_682 : vector<16xi32>
      %gather3A_684 = tpu.vector_load_idx %arg10[%add3A_683, %broadcast_in_dim3A_679] : memref<2560x32xf32, #tpu.memory_space<vmem>>[vector<16xi32>, vector<16xi32>], vector<16xf32>,
      %mul3A_685 = arith.mulf %gather3A_680, %gather3A_684 : vector<16xf32>
      %add3A_686 = arith.addf %add3A_653, %mul3A_685 : vector<16xf32>
      %add3A_687 = arith.constant 1 : i32
      %add3A_688 = vector.broadcast %add3A_687 : i32 to vector<16xi32>
      %add3A_689 = arith.addi %mul3A_405, %add3A_688 : vector<16xi32>
      %gather3A_690 = tpu.vector_load_idx %arg10[%add3A_689, %broadcast_in_dim3A_679] : memref<2560x32xf32, #tpu.memory_space<vmem>>[vector<16xi32>, vector<16xi32>], vector<16xf32>,
      %mul3A_691 = arith.mulf %gather3A_680, %gather3A_690 : vector<16xf32>
      %add3A_692 = arith.addf %add3A_659, %mul3A_691 : vector<16xf32>
      %add3A_693 = arith.constant 2 : i32
      %add3A_694 = vector.broadcast %add3A_693 : i32 to vector<16xi32>
      %add3A_695 = arith.addi %mul3A_405, %add3A_694 : vector<16xi32>
      %gather3A_696 = tpu.vector_load_idx %arg10[%add3A_695, %broadcast_in_dim3A_679] : memref<2560x32xf32, #tpu.memory_space<vmem>>[vector<16xi32>, vector<16xi32>], vector<16xf32>,
      %mul3A_697 = arith.mulf %gather3A_680, %gather3A_696 : vector<16xf32>
      %add3A_698 = arith.addf %add3A_665, %mul3A_697 : vector<16xf32>
      %add3A_699 = arith.constant 3 : i32
      %add3A_700 = vector.broadcast %add3A_699 : i32 to vector<16xi32>
      %add3A_701 = arith.addi %mul3A_405, %add3A_700 : vector<16xi32>
      %gather3A_702 = tpu.vector_load_idx %arg10[%add3A_701, %broadcast_in_dim3A_679] : memref<2560x32xf32, #tpu.memory_space<vmem>>[vector<16xi32>, vector<16xi32>], vector<16xf32>,
      %mul3A_703 = arith.mulf %gather3A_680, %gather3A_702 : vector<16xf32>
      %add3A_704 = arith.addf %add3A_671, %mul3A_703 : vector<16xf32>
      %add3A_705 = arith.constant 4 : i32
      %add3A_706 = vector.broadcast %add3A_705 : i32 to vector<16xi32>
      %add3A_707 = arith.addi %mul3A_405, %add3A_706 : vector<16xi32>
      %gather3A_708 = tpu.vector_load_idx %arg10[%add3A_707, %broadcast_in_dim3A_679] : memref<2560x32xf32, #tpu.memory_space<vmem>>[vector<16xi32>, vector<16xi32>], vector<16xf32>,
      %mul3A_709 = arith.mulf %gather3A_680, %gather3A_708 : vector<16xf32>
      %add3A_710 = arith.addf %add3A_677, %mul3A_709 : vector<16xf32>
      %broadcast_in_dim3A_711 = arith.constant 9 : i32
      %broadcast_in_dim3A_712 = vector.broadcast %broadcast_in_dim3A_711 : i32 to vector<16xi32>
      %gather3A_713 = tpu.vector_load_idx %arg9[%add3A_402, %broadcast_in_dim3A_712] : memref<512x32xf32, #tpu.memory_space<vmem>>[vector<16xi32>, vector<16xi32>], vector<16xf32>,
      %add3A_714 = arith.constant 0 : i32
      %add3A_715 = vector.broadcast %add3A_714 : i32 to vector<16xi32>
      %add3A_716 = arith.addi %mul3A_405, %add3A_715 : vector<16xi32>
      %gather3A_717 = tpu.vector_load_idx %arg10[%add3A_716, %broadcast_in_dim3A_712] : memref<2560x32xf32, #tpu.memory_space<vmem>>[vector<16xi32>, vector<16xi32>], vector<16xf32>,
      %mul3A_718 = arith.mulf %gather3A_713, %gather3A_717 : vector<16xf32>
      %add3A_719 = arith.addf %add3A_686, %mul3A_718 : vector<16xf32>
      %add3A_720 = arith.constant 1 : i32
      %add3A_721 = vector.broadcast %add3A_720 : i32 to vector<16xi32>
      %add3A_722 = arith.addi %mul3A_405, %add3A_721 : vector<16xi32>
      %gather3A_723 = tpu.vector_load_idx %arg10[%add3A_722, %broadcast_in_dim3A_712] : memref<2560x32xf32, #tpu.memory_space<vmem>>[vector<16xi32>, vector<16xi32>], vector<16xf32>,
      %mul3A_724 = arith.mulf %gather3A_713, %gather3A_723 : vector<16xf32>
      %add3A_725 = arith.addf %add3A_692, %mul3A_724 : vector<16xf32>
      %add3A_726 = arith.constant 2 : i32
      %add3A_727 = vector.broadcast %add3A_726 : i32 to vector<16xi32>
      %add3A_728 = arith.addi %mul3A_405, %add3A_727 : vector<16xi32>
      %gather3A_729 = tpu.vector_load_idx %arg10[%add3A_728, %broadcast_in_dim3A_712] : memref<2560x32xf32, #tpu.memory_space<vmem>>[vector<16xi32>, vector<16xi32>], vector<16xf32>,
      %mul3A_730 = arith.mulf %gather3A_713, %gather3A_729 : vector<16xf32>
      %add3A_731 = arith.addf %add3A_698, %mul3A_730 : vector<16xf32>
      %add3A_732 = arith.constant 3 : i32
      %add3A_733 = vector.broadcast %add3A_732 : i32 to vector<16xi32>
      %add3A_734 = arith.addi %mul3A_405, %add3A_733 : vector<16xi32>
      %gather3A_735 = tpu.vector_load_idx %arg10[%add3A_734, %broadcast_in_dim3A_712] : memref<2560x32xf32, #tpu.memory_space<vmem>>[vector<16xi32>, vector<16xi32>], vector<16xf32>,
      %mul3A_736 = arith.mulf %gather3A_713, %gather3A_735 : vector<16xf32>
      %add3A_737 = arith.addf %add3A_704, %mul3A_736 : vector<16xf32>
      %add3A_738 = arith.constant 4 : i32
      %add3A_739 = vector.broadcast %add3A_738 : i32 to vector<16xi32>
      %add3A_740 = arith.addi %mul3A_405, %add3A_739 : vector<16xi32>
      %gather3A_741 = tpu.vector_load_idx %arg10[%add3A_740, %broadcast_in_dim3A_712] : memref<2560x32xf32, #tpu.memory_space<vmem>>[vector<16xi32>, vector<16xi32>], vector<16xf32>,
      %mul3A_742 = arith.mulf %gather3A_713, %gather3A_741 : vector<16xf32>
      %add3A_743 = arith.addf %add3A_710, %mul3A_742 : vector<16xf32>
      %broadcast_in_dim3A_744 = arith.constant 10 : i32
      %broadcast_in_dim3A_745 = vector.broadcast %broadcast_in_dim3A_744 : i32 to vector<16xi32>
      %gather3A_746 = tpu.vector_load_idx %arg9[%add3A_402, %broadcast_in_dim3A_745] : memref<512x32xf32, #tpu.memory_space<vmem>>[vector<16xi32>, vector<16xi32>], vector<16xf32>,
      %add3A_747 = arith.constant 0 : i32
      %add3A_748 = vector.broadcast %add3A_747 : i32 to vector<16xi32>
      %add3A_749 = arith.addi %mul3A_405, %add3A_748 : vector<16xi32>
      %gather3A_750 = tpu.vector_load_idx %arg10[%add3A_749, %broadcast_in_dim3A_745] : memref<2560x32xf32, #tpu.memory_space<vmem>>[vector<16xi32>, vector<16xi32>], vector<16xf32>,
      %mul3A_751 = arith.mulf %gather3A_746, %gather3A_750 : vector<16xf32>
      %add3A_752 = arith.addf %add3A_719, %mul3A_751 : vector<16xf32>
      %add3A_753 = arith.constant 1 : i32
      %add3A_754 = vector.broadcast %add3A_753 : i32 to vector<16xi32>
      %add3A_755 = arith.addi %mul3A_405, %add3A_754 : vector<16xi32>
      %gather3A_756 = tpu.vector_load_idx %arg10[%add3A_755, %broadcast_in_dim3A_745] : memref<2560x32xf32, #tpu.memory_space<vmem>>[vector<16xi32>, vector<16xi32>], vector<16xf32>,
      %mul3A_757 = arith.mulf %gather3A_746, %gather3A_756 : vector<16xf32>
      %add3A_758 = arith.addf %add3A_725, %mul3A_757 : vector<16xf32>
      %add3A_759 = arith.constant 2 : i32
      %add3A_760 = vector.broadcast %add3A_759 : i32 to vector<16xi32>
      %add3A_761 = arith.addi %mul3A_405, %add3A_760 : vector<16xi32>
      %gather3A_762 = tpu.vector_load_idx %arg10[%add3A_761, %broadcast_in_dim3A_745] : memref<2560x32xf32, #tpu.memory_space<vmem>>[vector<16xi32>, vector<16xi32>], vector<16xf32>,
      %mul3A_763 = arith.mulf %gather3A_746, %gather3A_762 : vector<16xf32>
      %add3A_764 = arith.addf %add3A_731, %mul3A_763 : vector<16xf32>
      %add3A_765 = arith.constant 3 : i32
      %add3A_766 = vector.broadcast %add3A_765 : i32 to vector<16xi32>
      %add3A_767 = arith.addi %mul3A_405, %add3A_766 : vector<16xi32>
      %gather3A_768 = tpu.vector_load_idx %arg10[%add3A_767, %broadcast_in_dim3A_745] : memref<2560x32xf32, #tpu.memory_space<vmem>>[vector<16xi32>, vector<16xi32>], vector<16xf32>,
      %mul3A_769 = arith.mulf %gather3A_746, %gather3A_768 : vector<16xf32>
      %add3A_770 = arith.addf %add3A_737, %mul3A_769 : vector<16xf32>
      %add3A_771 = arith.constant 4 : i32
      %add3A_772 = vector.broadcast %add3A_771 : i32 to vector<16xi32>
      %add3A_773 = arith.addi %mul3A_405, %add3A_772 : vector<16xi32>
      %gather3A_774 = tpu.vector_load_idx %arg10[%add3A_773, %broadcast_in_dim3A_745] : memref<2560x32xf32, #tpu.memory_space<vmem>>[vector<16xi32>, vector<16xi32>], vector<16xf32>,
      %mul3A_775 = arith.mulf %gather3A_746, %gather3A_774 : vector<16xf32>
      %add3A_776 = arith.addf %add3A_743, %mul3A_775 : vector<16xf32>
      %broadcast_in_dim3A_777 = arith.constant 11 : i32
      %broadcast_in_dim3A_778 = vector.broadcast %broadcast_in_dim3A_777 : i32 to vector<16xi32>
      %gather3A_779 = tpu.vector_load_idx %arg9[%add3A_402, %broadcast_in_dim3A_778] : memref<512x32xf32, #tpu.memory_space<vmem>>[vector<16xi32>, vector<16xi32>], vector<16xf32>,
      %add3A_780 = arith.constant 0 : i32
      %add3A_781 = vector.broadcast %add3A_780 : i32 to vector<16xi32>
      %add3A_782 = arith.addi %mul3A_405, %add3A_781 : vector<16xi32>
      %gather3A_783 = tpu.vector_load_idx %arg10[%add3A_782, %broadcast_in_dim3A_778] : memref<2560x32xf32, #tpu.memory_space<vmem>>[vector<16xi32>, vector<16xi32>], vector<16xf32>,
      %mul3A_784 = arith.mulf %gather3A_779, %gather3A_783 : vector<16xf32>
      %add3A_785 = arith.addf %add3A_752, %mul3A_784 : vector<16xf32>
      %add3A_786 = arith.constant 1 : i32
      %add3A_787 = vector.broadcast %add3A_786 : i32 to vector<16xi32>
      %add3A_788 = arith.addi %mul3A_405, %add3A_787 : vector<16xi32>
      %gather3A_789 = tpu.vector_load_idx %arg10[%add3A_788, %broadcast_in_dim3A_778] : memref<2560x32xf32, #tpu.memory_space<vmem>>[vector<16xi32>, vector<16xi32>], vector<16xf32>,
      %mul3A_790 = arith.mulf %gather3A_779, %gather3A_789 : vector<16xf32>
      %add3A_791 = arith.addf %add3A_758, %mul3A_790 : vector<16xf32>
      %add3A_792 = arith.constant 2 : i32
      %add3A_793 = vector.broadcast %add3A_792 : i32 to vector<16xi32>
      %add3A_794 = arith.addi %mul3A_405, %add3A_793 : vector<16xi32>
      %gather3A_795 = tpu.vector_load_idx %arg10[%add3A_794, %broadcast_in_dim3A_778] : memref<2560x32xf32, #tpu.memory_space<vmem>>[vector<16xi32>, vector<16xi32>], vector<16xf32>,
      %mul3A_796 = arith.mulf %gather3A_779, %gather3A_795 : vector<16xf32>
      %add3A_797 = arith.addf %add3A_764, %mul3A_796 : vector<16xf32>
      %add3A_798 = arith.constant 3 : i32
      %add3A_799 = vector.broadcast %add3A_798 : i32 to vector<16xi32>
      %add3A_800 = arith.addi %mul3A_405, %add3A_799 : vector<16xi32>
      %gather3A_801 = tpu.vector_load_idx %arg10[%add3A_800, %broadcast_in_dim3A_778] : memref<2560x32xf32, #tpu.memory_space<vmem>>[vector<16xi32>, vector<16xi32>], vector<16xf32>,
      %mul3A_802 = arith.mulf %gather3A_779, %gather3A_801 : vector<16xf32>
      %add3A_803 = arith.addf %add3A_770, %mul3A_802 : vector<16xf32>
      %add3A_804 = arith.constant 4 : i32
      %add3A_805 = vector.broadcast %add3A_804 : i32 to vector<16xi32>
      %add3A_806 = arith.addi %mul3A_405, %add3A_805 : vector<16xi32>
      %gather3A_807 = tpu.vector_load_idx %arg10[%add3A_806, %broadcast_in_dim3A_778] : memref<2560x32xf32, #tpu.memory_space<vmem>>[vector<16xi32>, vector<16xi32>], vector<16xf32>,
      %mul3A_808 = arith.mulf %gather3A_779, %gather3A_807 : vector<16xf32>
      %add3A_809 = arith.addf %add3A_776, %mul3A_808 : vector<16xf32>
      %broadcast_in_dim3A_810 = arith.constant 12 : i32
      %broadcast_in_dim3A_811 = vector.broadcast %broadcast_in_dim3A_810 : i32 to vector<16xi32>
      %gather3A_812 = tpu.vector_load_idx %arg9[%add3A_402, %broadcast_in_dim3A_811] : memref<512x32xf32, #tpu.memory_space<vmem>>[vector<16xi32>, vector<16xi32>], vector<16xf32>,
      %add3A_813 = arith.constant 0 : i32
      %add3A_814 = vector.broadcast %add3A_813 : i32 to vector<16xi32>
      %add3A_815 = arith.addi %mul3A_405, %add3A_814 : vector<16xi32>
      %gather3A_816 = tpu.vector_load_idx %arg10[%add3A_815, %broadcast_in_dim3A_811] : memref<2560x32xf32, #tpu.memory_space<vmem>>[vector<16xi32>, vector<16xi32>], vector<16xf32>,
      %mul3A_817 = arith.mulf %gather3A_812, %gather3A_816 : vector<16xf32>
      %add3A_818 = arith.addf %add3A_785, %mul3A_817 : vector<16xf32>
      %add3A_819 = arith.constant 1 : i32
      %add3A_820 = vector.broadcast %add3A_819 : i32 to vector<16xi32>
      %add3A_821 = arith.addi %mul3A_405, %add3A_820 : vector<16xi32>
      %gather3A_822 = tpu.vector_load_idx %arg10[%add3A_821, %broadcast_in_dim3A_811] : memref<2560x32xf32, #tpu.memory_space<vmem>>[vector<16xi32>, vector<16xi32>], vector<16xf32>,
      %mul3A_823 = arith.mulf %gather3A_812, %gather3A_822 : vector<16xf32>
      %add3A_824 = arith.addf %add3A_791, %mul3A_823 : vector<16xf32>
      %add3A_825 = arith.constant 2 : i32
      %add3A_826 = vector.broadcast %add3A_825 : i32 to vector<16xi32>
      %add3A_827 = arith.addi %mul3A_405, %add3A_826 : vector<16xi32>
      %gather3A_828 = tpu.vector_load_idx %arg10[%add3A_827, %broadcast_in_dim3A_811] : memref<2560x32xf32, #tpu.memory_space<vmem>>[vector<16xi32>, vector<16xi32>], vector<16xf32>,
      %mul3A_829 = arith.mulf %gather3A_812, %gather3A_828 : vector<16xf32>
      %add3A_830 = arith.addf %add3A_797, %mul3A_829 : vector<16xf32>
      %add3A_831 = arith.constant 3 : i32
      %add3A_832 = vector.broadcast %add3A_831 : i32 to vector<16xi32>
      %add3A_833 = arith.addi %mul3A_405, %add3A_832 : vector<16xi32>
      %gather3A_834 = tpu.vector_load_idx %arg10[%add3A_833, %broadcast_in_dim3A_811] : memref<2560x32xf32, #tpu.memory_space<vmem>>[vector<16xi32>, vector<16xi32>], vector<16xf32>,
      %mul3A_835 = arith.mulf %gather3A_812, %gather3A_834 : vector<16xf32>
      %add3A_836 = arith.addf %add3A_803, %mul3A_835 : vector<16xf32>
      %add3A_837 = arith.constant 4 : i32
      %add3A_838 = vector.broadcast %add3A_837 : i32 to vector<16xi32>
      %add3A_839 = arith.addi %mul3A_405, %add3A_838 : vector<16xi32>
      %gather3A_840 = tpu.vector_load_idx %arg10[%add3A_839, %broadcast_in_dim3A_811] : memref<2560x32xf32, #tpu.memory_space<vmem>>[vector<16xi32>, vector<16xi32>], vector<16xf32>,
      %mul3A_841 = arith.mulf %gather3A_812, %gather3A_840 : vector<16xf32>
      %add3A_842 = arith.addf %add3A_809, %mul3A_841 : vector<16xf32>
      %broadcast_in_dim3A_843 = arith.constant 13 : i32
      %broadcast_in_dim3A_844 = vector.broadcast %broadcast_in_dim3A_843 : i32 to vector<16xi32>
      %gather3A_845 = tpu.vector_load_idx %arg9[%add3A_402, %broadcast_in_dim3A_844] : memref<512x32xf32, #tpu.memory_space<vmem>>[vector<16xi32>, vector<16xi32>], vector<16xf32>,
      %add3A_846 = arith.constant 0 : i32
      %add3A_847 = vector.broadcast %add3A_846 : i32 to vector<16xi32>
      %add3A_848 = arith.addi %mul3A_405, %add3A_847 : vector<16xi32>
      %gather3A_849 = tpu.vector_load_idx %arg10[%add3A_848, %broadcast_in_dim3A_844] : memref<2560x32xf32, #tpu.memory_space<vmem>>[vector<16xi32>, vector<16xi32>], vector<16xf32>,
      %mul3A_850 = arith.mulf %gather3A_845, %gather3A_849 : vector<16xf32>
      %add3A_851 = arith.addf %add3A_818, %mul3A_850 : vector<16xf32>
      %add3A_852 = arith.constant 1 : i32
      %add3A_853 = vector.broadcast %add3A_852 : i32 to vector<16xi32>
      %add3A_854 = arith.addi %mul3A_405, %add3A_853 : vector<16xi32>
      %gather3A_855 = tpu.vector_load_idx %arg10[%add3A_854, %broadcast_in_dim3A_844] : memref<2560x32xf32, #tpu.memory_space<vmem>>[vector<16xi32>, vector<16xi32>], vector<16xf32>,
      %mul3A_856 = arith.mulf %gather3A_845, %gather3A_855 : vector<16xf32>
      %add3A_857 = arith.addf %add3A_824, %mul3A_856 : vector<16xf32>
      %add3A_858 = arith.constant 2 : i32
      %add3A_859 = vector.broadcast %add3A_858 : i32 to vector<16xi32>
      %add3A_860 = arith.addi %mul3A_405, %add3A_859 : vector<16xi32>
      %gather3A_861 = tpu.vector_load_idx %arg10[%add3A_860, %broadcast_in_dim3A_844] : memref<2560x32xf32, #tpu.memory_space<vmem>>[vector<16xi32>, vector<16xi32>], vector<16xf32>,
      %mul3A_862 = arith.mulf %gather3A_845, %gather3A_861 : vector<16xf32>
      %add3A_863 = arith.addf %add3A_830, %mul3A_862 : vector<16xf32>
      %add3A_864 = arith.constant 3 : i32
      %add3A_865 = vector.broadcast %add3A_864 : i32 to vector<16xi32>
      %add3A_866 = arith.addi %mul3A_405, %add3A_865 : vector<16xi32>
      %gather3A_867 = tpu.vector_load_idx %arg10[%add3A_866, %broadcast_in_dim3A_844] : memref<2560x32xf32, #tpu.memory_space<vmem>>[vector<16xi32>, vector<16xi32>], vector<16xf32>,
      %mul3A_868 = arith.mulf %gather3A_845, %gather3A_867 : vector<16xf32>
      %add3A_869 = arith.addf %add3A_836, %mul3A_868 : vector<16xf32>
      %add3A_870 = arith.constant 4 : i32
      %add3A_871 = vector.broadcast %add3A_870 : i32 to vector<16xi32>
      %add3A_872 = arith.addi %mul3A_405, %add3A_871 : vector<16xi32>
      %gather3A_873 = tpu.vector_load_idx %arg10[%add3A_872, %broadcast_in_dim3A_844] : memref<2560x32xf32, #tpu.memory_space<vmem>>[vector<16xi32>, vector<16xi32>], vector<16xf32>,
      %mul3A_874 = arith.mulf %gather3A_845, %gather3A_873 : vector<16xf32>
      %add3A_875 = arith.addf %add3A_842, %mul3A_874 : vector<16xf32>
      %broadcast_in_dim3A_876 = arith.constant 14 : i32
      %broadcast_in_dim3A_877 = vector.broadcast %broadcast_in_dim3A_876 : i32 to vector<16xi32>
      %gather3A_878 = tpu.vector_load_idx %arg9[%add3A_402, %broadcast_in_dim3A_877] : memref<512x32xf32, #tpu.memory_space<vmem>>[vector<16xi32>, vector<16xi32>], vector<16xf32>,
      %add3A_879 = arith.constant 0 : i32
      %add3A_880 = vector.broadcast %add3A_879 : i32 to vector<16xi32>
      %add3A_881 = arith.addi %mul3A_405, %add3A_880 : vector<16xi32>
      %gather3A_882 = tpu.vector_load_idx %arg10[%add3A_881, %broadcast_in_dim3A_877] : memref<2560x32xf32, #tpu.memory_space<vmem>>[vector<16xi32>, vector<16xi32>], vector<16xf32>,
      %mul3A_883 = arith.mulf %gather3A_878, %gather3A_882 : vector<16xf32>
      %add3A_884 = arith.addf %add3A_851, %mul3A_883 : vector<16xf32>
      %add3A_885 = arith.constant 1 : i32
      %add3A_886 = vector.broadcast %add3A_885 : i32 to vector<16xi32>
      %add3A_887 = arith.addi %mul3A_405, %add3A_886 : vector<16xi32>
      %gather3A_888 = tpu.vector_load_idx %arg10[%add3A_887, %broadcast_in_dim3A_877] : memref<2560x32xf32, #tpu.memory_space<vmem>>[vector<16xi32>, vector<16xi32>], vector<16xf32>,
      %mul3A_889 = arith.mulf %gather3A_878, %gather3A_888 : vector<16xf32>
      %add3A_890 = arith.addf %add3A_857, %mul3A_889 : vector<16xf32>
      %add3A_891 = arith.constant 2 : i32
      %add3A_892 = vector.broadcast %add3A_891 : i32 to vector<16xi32>
      %add3A_893 = arith.addi %mul3A_405, %add3A_892 : vector<16xi32>
      %gather3A_894 = tpu.vector_load_idx %arg10[%add3A_893, %broadcast_in_dim3A_877] : memref<2560x32xf32, #tpu.memory_space<vmem>>[vector<16xi32>, vector<16xi32>], vector<16xf32>,
      %mul3A_895 = arith.mulf %gather3A_878, %gather3A_894 : vector<16xf32>
      %add3A_896 = arith.addf %add3A_863, %mul3A_895 : vector<16xf32>
      %add3A_897 = arith.constant 3 : i32
      %add3A_898 = vector.broadcast %add3A_897 : i32 to vector<16xi32>
      %add3A_899 = arith.addi %mul3A_405, %add3A_898 : vector<16xi32>
      %gather3A_900 = tpu.vector_load_idx %arg10[%add3A_899, %broadcast_in_dim3A_877] : memref<2560x32xf32, #tpu.memory_space<vmem>>[vector<16xi32>, vector<16xi32>], vector<16xf32>,
      %mul3A_901 = arith.mulf %gather3A_878, %gather3A_900 : vector<16xf32>
      %add3A_902 = arith.addf %add3A_869, %mul3A_901 : vector<16xf32>
      %add3A_903 = arith.constant 4 : i32
      %add3A_904 = vector.broadcast %add3A_903 : i32 to vector<16xi32>
      %add3A_905 = arith.addi %mul3A_405, %add3A_904 : vector<16xi32>
      %gather3A_906 = tpu.vector_load_idx %arg10[%add3A_905, %broadcast_in_dim3A_877] : memref<2560x32xf32, #tpu.memory_space<vmem>>[vector<16xi32>, vector<16xi32>], vector<16xf32>,
      %mul3A_907 = arith.mulf %gather3A_878, %gather3A_906 : vector<16xf32>
      %add3A_908 = arith.addf %add3A_875, %mul3A_907 : vector<16xf32>
      %broadcast_in_dim3A_909 = arith.constant 15 : i32
      %broadcast_in_dim3A_910 = vector.broadcast %broadcast_in_dim3A_909 : i32 to vector<16xi32>
      %gather3A_911 = tpu.vector_load_idx %arg9[%add3A_402, %broadcast_in_dim3A_910] : memref<512x32xf32, #tpu.memory_space<vmem>>[vector<16xi32>, vector<16xi32>], vector<16xf32>,
      %add3A_912 = arith.constant 0 : i32
      %add3A_913 = vector.broadcast %add3A_912 : i32 to vector<16xi32>
      %add3A_914 = arith.addi %mul3A_405, %add3A_913 : vector<16xi32>
      %gather3A_915 = tpu.vector_load_idx %arg10[%add3A_914, %broadcast_in_dim3A_910] : memref<2560x32xf32, #tpu.memory_space<vmem>>[vector<16xi32>, vector<16xi32>], vector<16xf32>,
      %mul3A_916 = arith.mulf %gather3A_911, %gather3A_915 : vector<16xf32>
      %add3A_917 = arith.addf %add3A_884, %mul3A_916 : vector<16xf32>
      %add3A_918 = arith.constant 1 : i32
      %add3A_919 = vector.broadcast %add3A_918 : i32 to vector<16xi32>
      %add3A_920 = arith.addi %mul3A_405, %add3A_919 : vector<16xi32>
      %gather3A_921 = tpu.vector_load_idx %arg10[%add3A_920, %broadcast_in_dim3A_910] : memref<2560x32xf32, #tpu.memory_space<vmem>>[vector<16xi32>, vector<16xi32>], vector<16xf32>,
      %mul3A_922 = arith.mulf %gather3A_911, %gather3A_921 : vector<16xf32>
      %add3A_923 = arith.addf %add3A_890, %mul3A_922 : vector<16xf32>
      %add3A_924 = arith.constant 2 : i32
      %add3A_925 = vector.broadcast %add3A_924 : i32 to vector<16xi32>
      %add3A_926 = arith.addi %mul3A_405, %add3A_925 : vector<16xi32>
      %gather3A_927 = tpu.vector_load_idx %arg10[%add3A_926, %broadcast_in_dim3A_910] : memref<2560x32xf32, #tpu.memory_space<vmem>>[vector<16xi32>, vector<16xi32>], vector<16xf32>,
      %mul3A_928 = arith.mulf %gather3A_911, %gather3A_927 : vector<16xf32>
      %add3A_929 = arith.addf %add3A_896, %mul3A_928 : vector<16xf32>
      %add3A_930 = arith.constant 3 : i32
      %add3A_931 = vector.broadcast %add3A_930 : i32 to vector<16xi32>
      %add3A_932 = arith.addi %mul3A_405, %add3A_931 : vector<16xi32>
      %gather3A_933 = tpu.vector_load_idx %arg10[%add3A_932, %broadcast_in_dim3A_910] : memref<2560x32xf32, #tpu.memory_space<vmem>>[vector<16xi32>, vector<16xi32>], vector<16xf32>,
      %mul3A_934 = arith.mulf %gather3A_911, %gather3A_933 : vector<16xf32>
      %add3A_935 = arith.addf %add3A_902, %mul3A_934 : vector<16xf32>
      %add3A_936 = arith.constant 4 : i32
      %add3A_937 = vector.broadcast %add3A_936 : i32 to vector<16xi32>
      %add3A_938 = arith.addi %mul3A_405, %add3A_937 : vector<16xi32>
      %gather3A_939 = tpu.vector_load_idx %arg10[%add3A_938, %broadcast_in_dim3A_910] : memref<2560x32xf32, #tpu.memory_space<vmem>>[vector<16xi32>, vector<16xi32>], vector<16xf32>,
      %mul3A_940 = arith.mulf %gather3A_911, %gather3A_939 : vector<16xf32>
      %add3A_941 = arith.addf %add3A_908, %mul3A_940 : vector<16xf32>
      %broadcast_in_dim3A_942 = arith.constant 16 : i32
      %broadcast_in_dim3A_943 = vector.broadcast %broadcast_in_dim3A_942 : i32 to vector<16xi32>
      %gather3A_944 = tpu.vector_load_idx %arg9[%add3A_402, %broadcast_in_dim3A_943] : memref<512x32xf32, #tpu.memory_space<vmem>>[vector<16xi32>, vector<16xi32>], vector<16xf32>,
      %add3A_945 = arith.constant 0 : i32
      %add3A_946 = vector.broadcast %add3A_945 : i32 to vector<16xi32>
      %add3A_947 = arith.addi %mul3A_405, %add3A_946 : vector<16xi32>
      %gather3A_948 = tpu.vector_load_idx %arg10[%add3A_947, %broadcast_in_dim3A_943] : memref<2560x32xf32, #tpu.memory_space<vmem>>[vector<16xi32>, vector<16xi32>], vector<16xf32>,
      %mul3A_949 = arith.mulf %gather3A_944, %gather3A_948 : vector<16xf32>
      %add3A_950 = arith.addf %add3A_917, %mul3A_949 : vector<16xf32>
      %add3A_951 = arith.constant 1 : i32
      %add3A_952 = vector.broadcast %add3A_951 : i32 to vector<16xi32>
      %add3A_953 = arith.addi %mul3A_405, %add3A_952 : vector<16xi32>
      %gather3A_954 = tpu.vector_load_idx %arg10[%add3A_953, %broadcast_in_dim3A_943] : memref<2560x32xf32, #tpu.memory_space<vmem>>[vector<16xi32>, vector<16xi32>], vector<16xf32>,
      %mul3A_955 = arith.mulf %gather3A_944, %gather3A_954 : vector<16xf32>
      %add3A_956 = arith.addf %add3A_923, %mul3A_955 : vector<16xf32>
      %add3A_957 = arith.constant 2 : i32
      %add3A_958 = vector.broadcast %add3A_957 : i32 to vector<16xi32>
      %add3A_959 = arith.addi %mul3A_405, %add3A_958 : vector<16xi32>
      %gather3A_960 = tpu.vector_load_idx %arg10[%add3A_959, %broadcast_in_dim3A_943] : memref<2560x32xf32, #tpu.memory_space<vmem>>[vector<16xi32>, vector<16xi32>], vector<16xf32>,
      %mul3A_961 = arith.mulf %gather3A_944, %gather3A_960 : vector<16xf32>
      %add3A_962 = arith.addf %add3A_929, %mul3A_961 : vector<16xf32>
      %add3A_963 = arith.constant 3 : i32
      %add3A_964 = vector.broadcast %add3A_963 : i32 to vector<16xi32>
      %add3A_965 = arith.addi %mul3A_405, %add3A_964 : vector<16xi32>
      %gather3A_966 = tpu.vector_load_idx %arg10[%add3A_965, %broadcast_in_dim3A_943] : memref<2560x32xf32, #tpu.memory_space<vmem>>[vector<16xi32>, vector<16xi32>], vector<16xf32>,
      %mul3A_967 = arith.mulf %gather3A_944, %gather3A_966 : vector<16xf32>
      %add3A_968 = arith.addf %add3A_935, %mul3A_967 : vector<16xf32>
      %add3A_969 = arith.constant 4 : i32
      %add3A_970 = vector.broadcast %add3A_969 : i32 to vector<16xi32>
      %add3A_971 = arith.addi %mul3A_405, %add3A_970 : vector<16xi32>
      %gather3A_972 = tpu.vector_load_idx %arg10[%add3A_971, %broadcast_in_dim3A_943] : memref<2560x32xf32, #tpu.memory_space<vmem>>[vector<16xi32>, vector<16xi32>], vector<16xf32>,
      %mul3A_973 = arith.mulf %gather3A_944, %gather3A_972 : vector<16xf32>
      %add3A_974 = arith.addf %add3A_941, %mul3A_973 : vector<16xf32>
      %broadcast_in_dim3A_975 = arith.constant 17 : i32
      %broadcast_in_dim3A_976 = vector.broadcast %broadcast_in_dim3A_975 : i32 to vector<16xi32>
      %gather3A_977 = tpu.vector_load_idx %arg9[%add3A_402, %broadcast_in_dim3A_976] : memref<512x32xf32, #tpu.memory_space<vmem>>[vector<16xi32>, vector<16xi32>], vector<16xf32>,
      %add3A_978 = arith.constant 0 : i32
      %add3A_979 = vector.broadcast %add3A_978 : i32 to vector<16xi32>
      %add3A_980 = arith.addi %mul3A_405, %add3A_979 : vector<16xi32>
      %gather3A_981 = tpu.vector_load_idx %arg10[%add3A_980, %broadcast_in_dim3A_976] : memref<2560x32xf32, #tpu.memory_space<vmem>>[vector<16xi32>, vector<16xi32>], vector<16xf32>,
      %mul3A_982 = arith.mulf %gather3A_977, %gather3A_981 : vector<16xf32>
      %add3A_983 = arith.addf %add3A_950, %mul3A_982 : vector<16xf32>
      %add3A_984 = arith.constant 1 : i32
      %add3A_985 = vector.broadcast %add3A_984 : i32 to vector<16xi32>
      %add3A_986 = arith.addi %mul3A_405, %add3A_985 : vector<16xi32>
      %gather3A_987 = tpu.vector_load_idx %arg10[%add3A_986, %broadcast_in_dim3A_976] : memref<2560x32xf32, #tpu.memory_space<vmem>>[vector<16xi32>, vector<16xi32>], vector<16xf32>,
      %mul3A_988 = arith.mulf %gather3A_977, %gather3A_987 : vector<16xf32>
      %add3A_989 = arith.addf %add3A_956, %mul3A_988 : vector<16xf32>
      %add3A_990 = arith.constant 2 : i32
      %add3A_991 = vector.broadcast %add3A_990 : i32 to vector<16xi32>
      %add3A_992 = arith.addi %mul3A_405, %add3A_991 : vector<16xi32>
      %gather3A_993 = tpu.vector_load_idx %arg10[%add3A_992, %broadcast_in_dim3A_976] : memref<2560x32xf32, #tpu.memory_space<vmem>>[vector<16xi32>, vector<16xi32>], vector<16xf32>,
      %mul3A_994 = arith.mulf %gather3A_977, %gather3A_993 : vector<16xf32>
      %add3A_995 = arith.addf %add3A_962, %mul3A_994 : vector<16xf32>
      %add3A_996 = arith.constant 3 : i32
      %add3A_997 = vector.broadcast %add3A_996 : i32 to vector<16xi32>
      %add3A_998 = arith.addi %mul3A_405, %add3A_997 : vector<16xi32>
      %gather3A_999 = tpu.vector_load_idx %arg10[%add3A_998, %broadcast_in_dim3A_976] : memref<2560x32xf32, #tpu.memory_space<vmem>>[vector<16xi32>, vector<16xi32>], vector<16xf32>,
      %mul3A_1000 = arith.mulf %gather3A_977, %gather3A_999 : vector<16xf32>
      %add3A_1001 = arith.addf %add3A_968, %mul3A_1000 : vector<16xf32>
      %add3A_1002 = arith.constant 4 : i32
      %add3A_1003 = vector.broadcast %add3A_1002 : i32 to vector<16xi32>
      %add3A_1004 = arith.addi %mul3A_405, %add3A_1003 : vector<16xi32>
      %gather3A_1005 = tpu.vector_load_idx %arg10[%add3A_1004, %broadcast_in_dim3A_976] : memref<2560x32xf32, #tpu.memory_space<vmem>>[vector<16xi32>, vector<16xi32>], vector<16xf32>,
      %mul3A_1006 = arith.mulf %gather3A_977, %gather3A_1005 : vector<16xf32>
      %add3A_1007 = arith.addf %add3A_974, %mul3A_1006 : vector<16xf32>
      %broadcast_in_dim3A_1008 = arith.constant 18 : i32
      %broadcast_in_dim3A_1009 = vector.broadcast %broadcast_in_dim3A_1008 : i32 to vector<16xi32>
      %gather3A_1010 = tpu.vector_load_idx %arg9[%add3A_402, %broadcast_in_dim3A_1009] : memref<512x32xf32, #tpu.memory_space<vmem>>[vector<16xi32>, vector<16xi32>], vector<16xf32>,
      %add3A_1011 = arith.constant 0 : i32
      %add3A_1012 = vector.broadcast %add3A_1011 : i32 to vector<16xi32>
      %add3A_1013 = arith.addi %mul3A_405, %add3A_1012 : vector<16xi32>
      %gather3A_1014 = tpu.vector_load_idx %arg10[%add3A_1013, %broadcast_in_dim3A_1009] : memref<2560x32xf32, #tpu.memory_space<vmem>>[vector<16xi32>, vector<16xi32>], vector<16xf32>,
      %mul3A_1015 = arith.mulf %gather3A_1010, %gather3A_1014 : vector<16xf32>
      %add3A_1016 = arith.addf %add3A_983, %mul3A_1015 : vector<16xf32>
      %add3A_1017 = arith.constant 1 : i32
      %add3A_1018 = vector.broadcast %add3A_1017 : i32 to vector<16xi32>
      %add3A_1019 = arith.addi %mul3A_405, %add3A_1018 : vector<16xi32>
      %gather3A_1020 = tpu.vector_load_idx %arg10[%add3A_1019, %broadcast_in_dim3A_1009] : memref<2560x32xf32, #tpu.memory_space<vmem>>[vector<16xi32>, vector<16xi32>], vector<16xf32>,
      %mul3A_1021 = arith.mulf %gather3A_1010, %gather3A_1020 : vector<16xf32>
      %add3A_1022 = arith.addf %add3A_989, %mul3A_1021 : vector<16xf32>
      %add3A_1023 = arith.constant 2 : i32
      %add3A_1024 = vector.broadcast %add3A_1023 : i32 to vector<16xi32>
      %add3A_1025 = arith.addi %mul3A_405, %add3A_1024 : vector<16xi32>
      %gather3A_1026 = tpu.vector_load_idx %arg10[%add3A_1025, %broadcast_in_dim3A_1009] : memref<2560x32xf32, #tpu.memory_space<vmem>>[vector<16xi32>, vector<16xi32>], vector<16xf32>,
      %mul3A_1027 = arith.mulf %gather3A_1010, %gather3A_1026 : vector<16xf32>
      %add3A_1028 = arith.addf %add3A_995, %mul3A_1027 : vector<16xf32>
      %add3A_1029 = arith.constant 3 : i32
      %add3A_1030 = vector.broadcast %add3A_1029 : i32 to vector<16xi32>
      %add3A_1031 = arith.addi %mul3A_405, %add3A_1030 : vector<16xi32>
      %gather3A_1032 = tpu.vector_load_idx %arg10[%add3A_1031, %broadcast_in_dim3A_1009] : memref<2560x32xf32, #tpu.memory_space<vmem>>[vector<16xi32>, vector<16xi32>], vector<16xf32>,
      %mul3A_1033 = arith.mulf %gather3A_1010, %gather3A_1032 : vector<16xf32>
      %add3A_1034 = arith.addf %add3A_1001, %mul3A_1033 : vector<16xf32>
      %add3A_1035 = arith.constant 4 : i32
      %add3A_1036 = vector.broadcast %add3A_1035 : i32 to vector<16xi32>
      %add3A_1037 = arith.addi %mul3A_405, %add3A_1036 : vector<16xi32>
      %gather3A_1038 = tpu.vector_load_idx %arg10[%add3A_1037, %broadcast_in_dim3A_1009] : memref<2560x32xf32, #tpu.memory_space<vmem>>[vector<16xi32>, vector<16xi32>], vector<16xf32>,
      %mul3A_1039 = arith.mulf %gather3A_1010, %gather3A_1038 : vector<16xf32>
      %add3A_1040 = arith.addf %add3A_1007, %mul3A_1039 : vector<16xf32>
      %broadcast_in_dim3A_1041 = arith.constant 19 : i32
      %broadcast_in_dim3A_1042 = vector.broadcast %broadcast_in_dim3A_1041 : i32 to vector<16xi32>
      %gather3A_1043 = tpu.vector_load_idx %arg9[%add3A_402, %broadcast_in_dim3A_1042] : memref<512x32xf32, #tpu.memory_space<vmem>>[vector<16xi32>, vector<16xi32>], vector<16xf32>,
      %add3A_1044 = arith.constant 0 : i32
      %add3A_1045 = vector.broadcast %add3A_1044 : i32 to vector<16xi32>
      %add3A_1046 = arith.addi %mul3A_405, %add3A_1045 : vector<16xi32>
      %gather3A_1047 = tpu.vector_load_idx %arg10[%add3A_1046, %broadcast_in_dim3A_1042] : memref<2560x32xf32, #tpu.memory_space<vmem>>[vector<16xi32>, vector<16xi32>], vector<16xf32>,
      %mul3A_1048 = arith.mulf %gather3A_1043, %gather3A_1047 : vector<16xf32>
      %add3A_1049 = arith.addf %add3A_1016, %mul3A_1048 : vector<16xf32>
      %add3A_1050 = arith.constant 1 : i32
      %add3A_1051 = vector.broadcast %add3A_1050 : i32 to vector<16xi32>
      %add3A_1052 = arith.addi %mul3A_405, %add3A_1051 : vector<16xi32>
      %gather3A_1053 = tpu.vector_load_idx %arg10[%add3A_1052, %broadcast_in_dim3A_1042] : memref<2560x32xf32, #tpu.memory_space<vmem>>[vector<16xi32>, vector<16xi32>], vector<16xf32>,
      %mul3A_1054 = arith.mulf %gather3A_1043, %gather3A_1053 : vector<16xf32>
      %add3A_1055 = arith.addf %add3A_1022, %mul3A_1054 : vector<16xf32>
      %add3A_1056 = arith.constant 2 : i32
      %add3A_1057 = vector.broadcast %add3A_1056 : i32 to vector<16xi32>
      %add3A_1058 = arith.addi %mul3A_405, %add3A_1057 : vector<16xi32>
      %gather3A_1059 = tpu.vector_load_idx %arg10[%add3A_1058, %broadcast_in_dim3A_1042] : memref<2560x32xf32, #tpu.memory_space<vmem>>[vector<16xi32>, vector<16xi32>], vector<16xf32>,
      %mul3A_1060 = arith.mulf %gather3A_1043, %gather3A_1059 : vector<16xf32>
      %add3A_1061 = arith.addf %add3A_1028, %mul3A_1060 : vector<16xf32>
      %add3A_1062 = arith.constant 3 : i32
      %add3A_1063 = vector.broadcast %add3A_1062 : i32 to vector<16xi32>
      %add3A_1064 = arith.addi %mul3A_405, %add3A_1063 : vector<16xi32>
      %gather3A_1065 = tpu.vector_load_idx %arg10[%add3A_1064, %broadcast_in_dim3A_1042] : memref<2560x32xf32, #tpu.memory_space<vmem>>[vector<16xi32>, vector<16xi32>], vector<16xf32>,
      %mul3A_1066 = arith.mulf %gather3A_1043, %gather3A_1065 : vector<16xf32>
      %add3A_1067 = arith.addf %add3A_1034, %mul3A_1066 : vector<16xf32>
      %add3A_1068 = arith.constant 4 : i32
      %add3A_1069 = vector.broadcast %add3A_1068 : i32 to vector<16xi32>
      %add3A_1070 = arith.addi %mul3A_405, %add3A_1069 : vector<16xi32>
      %gather3A_1071 = tpu.vector_load_idx %arg10[%add3A_1070, %broadcast_in_dim3A_1042] : memref<2560x32xf32, #tpu.memory_space<vmem>>[vector<16xi32>, vector<16xi32>], vector<16xf32>,
      %mul3A_1072 = arith.mulf %gather3A_1043, %gather3A_1071 : vector<16xf32>
      %add3A_1073 = arith.addf %add3A_1040, %mul3A_1072 : vector<16xf32>
      %broadcast_in_dim3A_1074 = arith.constant 20 : i32
      %broadcast_in_dim3A_1075 = vector.broadcast %broadcast_in_dim3A_1074 : i32 to vector<16xi32>
      %gather3A_1076 = tpu.vector_load_idx %arg9[%add3A_402, %broadcast_in_dim3A_1075] : memref<512x32xf32, #tpu.memory_space<vmem>>[vector<16xi32>, vector<16xi32>], vector<16xf32>,
      %add3A_1077 = arith.constant 0 : i32
      %add3A_1078 = vector.broadcast %add3A_1077 : i32 to vector<16xi32>
      %add3A_1079 = arith.addi %mul3A_405, %add3A_1078 : vector<16xi32>
      %gather3A_1080 = tpu.vector_load_idx %arg10[%add3A_1079, %broadcast_in_dim3A_1075] : memref<2560x32xf32, #tpu.memory_space<vmem>>[vector<16xi32>, vector<16xi32>], vector<16xf32>,
      %mul3A_1081 = arith.mulf %gather3A_1076, %gather3A_1080 : vector<16xf32>
      %add3A_1082 = arith.addf %add3A_1049, %mul3A_1081 : vector<16xf32>
      %add3A_1083 = arith.constant 1 : i32
      %add3A_1084 = vector.broadcast %add3A_1083 : i32 to vector<16xi32>
      %add3A_1085 = arith.addi %mul3A_405, %add3A_1084 : vector<16xi32>
      %gather3A_1086 = tpu.vector_load_idx %arg10[%add3A_1085, %broadcast_in_dim3A_1075] : memref<2560x32xf32, #tpu.memory_space<vmem>>[vector<16xi32>, vector<16xi32>], vector<16xf32>,
      %mul3A_1087 = arith.mulf %gather3A_1076, %gather3A_1086 : vector<16xf32>
      %add3A_1088 = arith.addf %add3A_1055, %mul3A_1087 : vector<16xf32>
      %add3A_1089 = arith.constant 2 : i32
      %add3A_1090 = vector.broadcast %add3A_1089 : i32 to vector<16xi32>
      %add3A_1091 = arith.addi %mul3A_405, %add3A_1090 : vector<16xi32>
      %gather3A_1092 = tpu.vector_load_idx %arg10[%add3A_1091, %broadcast_in_dim3A_1075] : memref<2560x32xf32, #tpu.memory_space<vmem>>[vector<16xi32>, vector<16xi32>], vector<16xf32>,
      %mul3A_1093 = arith.mulf %gather3A_1076, %gather3A_1092 : vector<16xf32>
      %add3A_1094 = arith.addf %add3A_1061, %mul3A_1093 : vector<16xf32>
      %add3A_1095 = arith.constant 3 : i32
      %add3A_1096 = vector.broadcast %add3A_1095 : i32 to vector<16xi32>
      %add3A_1097 = arith.addi %mul3A_405, %add3A_1096 : vector<16xi32>
      %gather3A_1098 = tpu.vector_load_idx %arg10[%add3A_1097, %broadcast_in_dim3A_1075] : memref<2560x32xf32, #tpu.memory_space<vmem>>[vector<16xi32>, vector<16xi32>], vector<16xf32>,
      %mul3A_1099 = arith.mulf %gather3A_1076, %gather3A_1098 : vector<16xf32>
      %add3A_1100 = arith.addf %add3A_1067, %mul3A_1099 : vector<16xf32>
      %add3A_1101 = arith.constant 4 : i32
      %add3A_1102 = vector.broadcast %add3A_1101 : i32 to vector<16xi32>
      %add3A_1103 = arith.addi %mul3A_405, %add3A_1102 : vector<16xi32>
      %gather3A_1104 = tpu.vector_load_idx %arg10[%add3A_1103, %broadcast_in_dim3A_1075] : memref<2560x32xf32, #tpu.memory_space<vmem>>[vector<16xi32>, vector<16xi32>], vector<16xf32>,
      %mul3A_1105 = arith.mulf %gather3A_1076, %gather3A_1104 : vector<16xf32>
      %add3A_1106 = arith.addf %add3A_1073, %mul3A_1105 : vector<16xf32>
      %broadcast_in_dim3A_1107 = arith.constant 21 : i32
      %broadcast_in_dim3A_1108 = vector.broadcast %broadcast_in_dim3A_1107 : i32 to vector<16xi32>
      %gather3A_1109 = tpu.vector_load_idx %arg9[%add3A_402, %broadcast_in_dim3A_1108] : memref<512x32xf32, #tpu.memory_space<vmem>>[vector<16xi32>, vector<16xi32>], vector<16xf32>,
      %add3A_1110 = arith.constant 0 : i32
      %add3A_1111 = vector.broadcast %add3A_1110 : i32 to vector<16xi32>
      %add3A_1112 = arith.addi %mul3A_405, %add3A_1111 : vector<16xi32>
      %gather3A_1113 = tpu.vector_load_idx %arg10[%add3A_1112, %broadcast_in_dim3A_1108] : memref<2560x32xf32, #tpu.memory_space<vmem>>[vector<16xi32>, vector<16xi32>], vector<16xf32>,
      %mul3A_1114 = arith.mulf %gather3A_1109, %gather3A_1113 : vector<16xf32>
      %add3A_1115 = arith.addf %add3A_1082, %mul3A_1114 : vector<16xf32>
      %add3A_1116 = arith.constant 1 : i32
      %add3A_1117 = vector.broadcast %add3A_1116 : i32 to vector<16xi32>
      %add3A_1118 = arith.addi %mul3A_405, %add3A_1117 : vector<16xi32>
      %gather3A_1119 = tpu.vector_load_idx %arg10[%add3A_1118, %broadcast_in_dim3A_1108] : memref<2560x32xf32, #tpu.memory_space<vmem>>[vector<16xi32>, vector<16xi32>], vector<16xf32>,
      %mul3A_1120 = arith.mulf %gather3A_1109, %gather3A_1119 : vector<16xf32>
      %add3A_1121 = arith.addf %add3A_1088, %mul3A_1120 : vector<16xf32>
      %add3A_1122 = arith.constant 2 : i32
      %add3A_1123 = vector.broadcast %add3A_1122 : i32 to vector<16xi32>
      %add3A_1124 = arith.addi %mul3A_405, %add3A_1123 : vector<16xi32>
      %gather3A_1125 = tpu.vector_load_idx %arg10[%add3A_1124, %broadcast_in_dim3A_1108] : memref<2560x32xf32, #tpu.memory_space<vmem>>[vector<16xi32>, vector<16xi32>], vector<16xf32>,
      %mul3A_1126 = arith.mulf %gather3A_1109, %gather3A_1125 : vector<16xf32>
      %add3A_1127 = arith.addf %add3A_1094, %mul3A_1126 : vector<16xf32>
      %add3A_1128 = arith.constant 3 : i32
      %add3A_1129 = vector.broadcast %add3A_1128 : i32 to vector<16xi32>
      %add3A_1130 = arith.addi %mul3A_405, %add3A_1129 : vector<16xi32>
      %gather3A_1131 = tpu.vector_load_idx %arg10[%add3A_1130, %broadcast_in_dim3A_1108] : memref<2560x32xf32, #tpu.memory_space<vmem>>[vector<16xi32>, vector<16xi32>], vector<16xf32>,
      %mul3A_1132 = arith.mulf %gather3A_1109, %gather3A_1131 : vector<16xf32>
      %add3A_1133 = arith.addf %add3A_1100, %mul3A_1132 : vector<16xf32>
      %add3A_1134 = arith.constant 4 : i32
      %add3A_1135 = vector.broadcast %add3A_1134 : i32 to vector<16xi32>
      %add3A_1136 = arith.addi %mul3A_405, %add3A_1135 : vector<16xi32>
      %gather3A_1137 = tpu.vector_load_idx %arg10[%add3A_1136, %broadcast_in_dim3A_1108] : memref<2560x32xf32, #tpu.memory_space<vmem>>[vector<16xi32>, vector<16xi32>], vector<16xf32>,
      %mul3A_1138 = arith.mulf %gather3A_1109, %gather3A_1137 : vector<16xf32>
      %add3A_1139 = arith.addf %add3A_1106, %mul3A_1138 : vector<16xf32>
      %broadcast_in_dim3A_1140 = arith.constant 22 : i32
      %broadcast_in_dim3A_1141 = vector.broadcast %broadcast_in_dim3A_1140 : i32 to vector<16xi32>
      %gather3A_1142 = tpu.vector_load_idx %arg9[%add3A_402, %broadcast_in_dim3A_1141] : memref<512x32xf32, #tpu.memory_space<vmem>>[vector<16xi32>, vector<16xi32>], vector<16xf32>,
      %add3A_1143 = arith.constant 0 : i32
      %add3A_1144 = vector.broadcast %add3A_1143 : i32 to vector<16xi32>
      %add3A_1145 = arith.addi %mul3A_405, %add3A_1144 : vector<16xi32>
      %gather3A_1146 = tpu.vector_load_idx %arg10[%add3A_1145, %broadcast_in_dim3A_1141] : memref<2560x32xf32, #tpu.memory_space<vmem>>[vector<16xi32>, vector<16xi32>], vector<16xf32>,
      %mul3A_1147 = arith.mulf %gather3A_1142, %gather3A_1146 : vector<16xf32>
      %add3A_1148 = arith.addf %add3A_1115, %mul3A_1147 : vector<16xf32>
      %add3A_1149 = arith.constant 1 : i32
      %add3A_1150 = vector.broadcast %add3A_1149 : i32 to vector<16xi32>
      %add3A_1151 = arith.addi %mul3A_405, %add3A_1150 : vector<16xi32>
      %gather3A_1152 = tpu.vector_load_idx %arg10[%add3A_1151, %broadcast_in_dim3A_1141] : memref<2560x32xf32, #tpu.memory_space<vmem>>[vector<16xi32>, vector<16xi32>], vector<16xf32>,
      %mul3A_1153 = arith.mulf %gather3A_1142, %gather3A_1152 : vector<16xf32>
      %add3A_1154 = arith.addf %add3A_1121, %mul3A_1153 : vector<16xf32>
      %add3A_1155 = arith.constant 2 : i32
      %add3A_1156 = vector.broadcast %add3A_1155 : i32 to vector<16xi32>
      %add3A_1157 = arith.addi %mul3A_405, %add3A_1156 : vector<16xi32>
      %gather3A_1158 = tpu.vector_load_idx %arg10[%add3A_1157, %broadcast_in_dim3A_1141] : memref<2560x32xf32, #tpu.memory_space<vmem>>[vector<16xi32>, vector<16xi32>], vector<16xf32>,
      %mul3A_1159 = arith.mulf %gather3A_1142, %gather3A_1158 : vector<16xf32>
      %add3A_1160 = arith.addf %add3A_1127, %mul3A_1159 : vector<16xf32>
      %add3A_1161 = arith.constant 3 : i32
      %add3A_1162 = vector.broadcast %add3A_1161 : i32 to vector<16xi32>
      %add3A_1163 = arith.addi %mul3A_405, %add3A_1162 : vector<16xi32>
      %gather3A_1164 = tpu.vector_load_idx %arg10[%add3A_1163, %broadcast_in_dim3A_1141] : memref<2560x32xf32, #tpu.memory_space<vmem>>[vector<16xi32>, vector<16xi32>], vector<16xf32>,
      %mul3A_1165 = arith.mulf %gather3A_1142, %gather3A_1164 : vector<16xf32>
      %add3A_1166 = arith.addf %add3A_1133, %mul3A_1165 : vector<16xf32>
      %add3A_1167 = arith.constant 4 : i32
      %add3A_1168 = vector.broadcast %add3A_1167 : i32 to vector<16xi32>
      %add3A_1169 = arith.addi %mul3A_405, %add3A_1168 : vector<16xi32>
      %gather3A_1170 = tpu.vector_load_idx %arg10[%add3A_1169, %broadcast_in_dim3A_1141] : memref<2560x32xf32, #tpu.memory_space<vmem>>[vector<16xi32>, vector<16xi32>], vector<16xf32>,
      %mul3A_1171 = arith.mulf %gather3A_1142, %gather3A_1170 : vector<16xf32>
      %add3A_1172 = arith.addf %add3A_1139, %mul3A_1171 : vector<16xf32>
      %broadcast_in_dim3A_1173 = arith.constant 23 : i32
      %broadcast_in_dim3A_1174 = vector.broadcast %broadcast_in_dim3A_1173 : i32 to vector<16xi32>
      %gather3A_1175 = tpu.vector_load_idx %arg9[%add3A_402, %broadcast_in_dim3A_1174] : memref<512x32xf32, #tpu.memory_space<vmem>>[vector<16xi32>, vector<16xi32>], vector<16xf32>,
      %add3A_1176 = arith.constant 0 : i32
      %add3A_1177 = vector.broadcast %add3A_1176 : i32 to vector<16xi32>
      %add3A_1178 = arith.addi %mul3A_405, %add3A_1177 : vector<16xi32>
      %gather3A_1179 = tpu.vector_load_idx %arg10[%add3A_1178, %broadcast_in_dim3A_1174] : memref<2560x32xf32, #tpu.memory_space<vmem>>[vector<16xi32>, vector<16xi32>], vector<16xf32>,
      %mul3A_1180 = arith.mulf %gather3A_1175, %gather3A_1179 : vector<16xf32>
      %add3A_1181 = arith.addf %add3A_1148, %mul3A_1180 : vector<16xf32>
      %add3A_1182 = arith.constant 1 : i32
      %add3A_1183 = vector.broadcast %add3A_1182 : i32 to vector<16xi32>
      %add3A_1184 = arith.addi %mul3A_405, %add3A_1183 : vector<16xi32>
      %gather3A_1185 = tpu.vector_load_idx %arg10[%add3A_1184, %broadcast_in_dim3A_1174] : memref<2560x32xf32, #tpu.memory_space<vmem>>[vector<16xi32>, vector<16xi32>], vector<16xf32>,
      %mul3A_1186 = arith.mulf %gather3A_1175, %gather3A_1185 : vector<16xf32>
      %add3A_1187 = arith.addf %add3A_1154, %mul3A_1186 : vector<16xf32>
      %add3A_1188 = arith.constant 2 : i32
      %add3A_1189 = vector.broadcast %add3A_1188 : i32 to vector<16xi32>
      %add3A_1190 = arith.addi %mul3A_405, %add3A_1189 : vector<16xi32>
      %gather3A_1191 = tpu.vector_load_idx %arg10[%add3A_1190, %broadcast_in_dim3A_1174] : memref<2560x32xf32, #tpu.memory_space<vmem>>[vector<16xi32>, vector<16xi32>], vector<16xf32>,
      %mul3A_1192 = arith.mulf %gather3A_1175, %gather3A_1191 : vector<16xf32>
      %add3A_1193 = arith.addf %add3A_1160, %mul3A_1192 : vector<16xf32>
      %add3A_1194 = arith.constant 3 : i32
      %add3A_1195 = vector.broadcast %add3A_1194 : i32 to vector<16xi32>
      %add3A_1196 = arith.addi %mul3A_405, %add3A_1195 : vector<16xi32>
      %gather3A_1197 = tpu.vector_load_idx %arg10[%add3A_1196, %broadcast_in_dim3A_1174] : memref<2560x32xf32, #tpu.memory_space<vmem>>[vector<16xi32>, vector<16xi32>], vector<16xf32>,
      %mul3A_1198 = arith.mulf %gather3A_1175, %gather3A_1197 : vector<16xf32>
      %add3A_1199 = arith.addf %add3A_1166, %mul3A_1198 : vector<16xf32>
      %add3A_1200 = arith.constant 4 : i32
      %add3A_1201 = vector.broadcast %add3A_1200 : i32 to vector<16xi32>
      %add3A_1202 = arith.addi %mul3A_405, %add3A_1201 : vector<16xi32>
      %gather3A_1203 = tpu.vector_load_idx %arg10[%add3A_1202, %broadcast_in_dim3A_1174] : memref<2560x32xf32, #tpu.memory_space<vmem>>[vector<16xi32>, vector<16xi32>], vector<16xf32>,
      %mul3A_1204 = arith.mulf %gather3A_1175, %gather3A_1203 : vector<16xf32>
      %add3A_1205 = arith.addf %add3A_1172, %mul3A_1204 : vector<16xf32>
      %broadcast_in_dim3A_1206 = arith.constant 24 : i32
      %broadcast_in_dim3A_1207 = vector.broadcast %broadcast_in_dim3A_1206 : i32 to vector<16xi32>
      %gather3A_1208 = tpu.vector_load_idx %arg9[%add3A_402, %broadcast_in_dim3A_1207] : memref<512x32xf32, #tpu.memory_space<vmem>>[vector<16xi32>, vector<16xi32>], vector<16xf32>,
      %add3A_1209 = arith.constant 0 : i32
      %add3A_1210 = vector.broadcast %add3A_1209 : i32 to vector<16xi32>
      %add3A_1211 = arith.addi %mul3A_405, %add3A_1210 : vector<16xi32>
      %gather3A_1212 = tpu.vector_load_idx %arg10[%add3A_1211, %broadcast_in_dim3A_1207] : memref<2560x32xf32, #tpu.memory_space<vmem>>[vector<16xi32>, vector<16xi32>], vector<16xf32>,
      %mul3A_1213 = arith.mulf %gather3A_1208, %gather3A_1212 : vector<16xf32>
      %add3A_1214 = arith.addf %add3A_1181, %mul3A_1213 : vector<16xf32>
      %add3A_1215 = arith.constant 1 : i32
      %add3A_1216 = vector.broadcast %add3A_1215 : i32 to vector<16xi32>
      %add3A_1217 = arith.addi %mul3A_405, %add3A_1216 : vector<16xi32>
      %gather3A_1218 = tpu.vector_load_idx %arg10[%add3A_1217, %broadcast_in_dim3A_1207] : memref<2560x32xf32, #tpu.memory_space<vmem>>[vector<16xi32>, vector<16xi32>], vector<16xf32>,
      %mul3A_1219 = arith.mulf %gather3A_1208, %gather3A_1218 : vector<16xf32>
      %add3A_1220 = arith.addf %add3A_1187, %mul3A_1219 : vector<16xf32>
      %add3A_1221 = arith.constant 2 : i32
      %add3A_1222 = vector.broadcast %add3A_1221 : i32 to vector<16xi32>
      %add3A_1223 = arith.addi %mul3A_405, %add3A_1222 : vector<16xi32>
      %gather3A_1224 = tpu.vector_load_idx %arg10[%add3A_1223, %broadcast_in_dim3A_1207] : memref<2560x32xf32, #tpu.memory_space<vmem>>[vector<16xi32>, vector<16xi32>], vector<16xf32>,
      %mul3A_1225 = arith.mulf %gather3A_1208, %gather3A_1224 : vector<16xf32>
      %add3A_1226 = arith.addf %add3A_1193, %mul3A_1225 : vector<16xf32>
      %add3A_1227 = arith.constant 3 : i32
      %add3A_1228 = vector.broadcast %add3A_1227 : i32 to vector<16xi32>
      %add3A_1229 = arith.addi %mul3A_405, %add3A_1228 : vector<16xi32>
      %gather3A_1230 = tpu.vector_load_idx %arg10[%add3A_1229, %broadcast_in_dim3A_1207] : memref<2560x32xf32, #tpu.memory_space<vmem>>[vector<16xi32>, vector<16xi32>], vector<16xf32>,
      %mul3A_1231 = arith.mulf %gather3A_1208, %gather3A_1230 : vector<16xf32>
      %add3A_1232 = arith.addf %add3A_1199, %mul3A_1231 : vector<16xf32>
      %add3A_1233 = arith.constant 4 : i32
      %add3A_1234 = vector.broadcast %add3A_1233 : i32 to vector<16xi32>
      %add3A_1235 = arith.addi %mul3A_405, %add3A_1234 : vector<16xi32>
      %gather3A_1236 = tpu.vector_load_idx %arg10[%add3A_1235, %broadcast_in_dim3A_1207] : memref<2560x32xf32, #tpu.memory_space<vmem>>[vector<16xi32>, vector<16xi32>], vector<16xf32>,
      %mul3A_1237 = arith.mulf %gather3A_1208, %gather3A_1236 : vector<16xf32>
      %add3A_1238 = arith.addf %add3A_1205, %mul3A_1237 : vector<16xf32>
      %broadcast_in_dim3A_1239 = arith.constant 25 : i32
      %broadcast_in_dim3A_1240 = vector.broadcast %broadcast_in_dim3A_1239 : i32 to vector<16xi32>
      %gather3A_1241 = tpu.vector_load_idx %arg9[%add3A_402, %broadcast_in_dim3A_1240] : memref<512x32xf32, #tpu.memory_space<vmem>>[vector<16xi32>, vector<16xi32>], vector<16xf32>,
      %add3A_1242 = arith.constant 0 : i32
      %add3A_1243 = vector.broadcast %add3A_1242 : i32 to vector<16xi32>
      %add3A_1244 = arith.addi %mul3A_405, %add3A_1243 : vector<16xi32>
      %gather3A_1245 = tpu.vector_load_idx %arg10[%add3A_1244, %broadcast_in_dim3A_1240] : memref<2560x32xf32, #tpu.memory_space<vmem>>[vector<16xi32>, vector<16xi32>], vector<16xf32>,
      %mul3A_1246 = arith.mulf %gather3A_1241, %gather3A_1245 : vector<16xf32>
      %add3A_1247 = arith.addf %add3A_1214, %mul3A_1246 : vector<16xf32>
      %add3A_1248 = arith.constant 1 : i32
      %add3A_1249 = vector.broadcast %add3A_1248 : i32 to vector<16xi32>
      %add3A_1250 = arith.addi %mul3A_405, %add3A_1249 : vector<16xi32>
      %gather3A_1251 = tpu.vector_load_idx %arg10[%add3A_1250, %broadcast_in_dim3A_1240] : memref<2560x32xf32, #tpu.memory_space<vmem>>[vector<16xi32>, vector<16xi32>], vector<16xf32>,
      %mul3A_1252 = arith.mulf %gather3A_1241, %gather3A_1251 : vector<16xf32>
      %add3A_1253 = arith.addf %add3A_1220, %mul3A_1252 : vector<16xf32>
      %add3A_1254 = arith.constant 2 : i32
      %add3A_1255 = vector.broadcast %add3A_1254 : i32 to vector<16xi32>
      %add3A_1256 = arith.addi %mul3A_405, %add3A_1255 : vector<16xi32>
      %gather3A_1257 = tpu.vector_load_idx %arg10[%add3A_1256, %broadcast_in_dim3A_1240] : memref<2560x32xf32, #tpu.memory_space<vmem>>[vector<16xi32>, vector<16xi32>], vector<16xf32>,
      %mul3A_1258 = arith.mulf %gather3A_1241, %gather3A_1257 : vector<16xf32>
      %add3A_1259 = arith.addf %add3A_1226, %mul3A_1258 : vector<16xf32>
      %add3A_1260 = arith.constant 3 : i32
      %add3A_1261 = vector.broadcast %add3A_1260 : i32 to vector<16xi32>
      %add3A_1262 = arith.addi %mul3A_405, %add3A_1261 : vector<16xi32>
      %gather3A_1263 = tpu.vector_load_idx %arg10[%add3A_1262, %broadcast_in_dim3A_1240] : memref<2560x32xf32, #tpu.memory_space<vmem>>[vector<16xi32>, vector<16xi32>], vector<16xf32>,
      %mul3A_1264 = arith.mulf %gather3A_1241, %gather3A_1263 : vector<16xf32>
      %add3A_1265 = arith.addf %add3A_1232, %mul3A_1264 : vector<16xf32>
      %add3A_1266 = arith.constant 4 : i32
      %add3A_1267 = vector.broadcast %add3A_1266 : i32 to vector<16xi32>
      %add3A_1268 = arith.addi %mul3A_405, %add3A_1267 : vector<16xi32>
      %gather3A_1269 = tpu.vector_load_idx %arg10[%add3A_1268, %broadcast_in_dim3A_1240] : memref<2560x32xf32, #tpu.memory_space<vmem>>[vector<16xi32>, vector<16xi32>], vector<16xf32>,
      %mul3A_1270 = arith.mulf %gather3A_1241, %gather3A_1269 : vector<16xf32>
      %add3A_1271 = arith.addf %add3A_1238, %mul3A_1270 : vector<16xf32>
      %broadcast_in_dim3A_1272 = arith.constant 26 : i32
      %broadcast_in_dim3A_1273 = vector.broadcast %broadcast_in_dim3A_1272 : i32 to vector<16xi32>
      %gather3A_1274 = tpu.vector_load_idx %arg9[%add3A_402, %broadcast_in_dim3A_1273] : memref<512x32xf32, #tpu.memory_space<vmem>>[vector<16xi32>, vector<16xi32>], vector<16xf32>,
      %add3A_1275 = arith.constant 0 : i32
      %add3A_1276 = vector.broadcast %add3A_1275 : i32 to vector<16xi32>
      %add3A_1277 = arith.addi %mul3A_405, %add3A_1276 : vector<16xi32>
      %gather3A_1278 = tpu.vector_load_idx %arg10[%add3A_1277, %broadcast_in_dim3A_1273] : memref<2560x32xf32, #tpu.memory_space<vmem>>[vector<16xi32>, vector<16xi32>], vector<16xf32>,
      %mul3A_1279 = arith.mulf %gather3A_1274, %gather3A_1278 : vector<16xf32>
      %add3A_1280 = arith.addf %add3A_1247, %mul3A_1279 : vector<16xf32>
      %add3A_1281 = arith.constant 1 : i32
      %add3A_1282 = vector.broadcast %add3A_1281 : i32 to vector<16xi32>
      %add3A_1283 = arith.addi %mul3A_405, %add3A_1282 : vector<16xi32>
      %gather3A_1284 = tpu.vector_load_idx %arg10[%add3A_1283, %broadcast_in_dim3A_1273] : memref<2560x32xf32, #tpu.memory_space<vmem>>[vector<16xi32>, vector<16xi32>], vector<16xf32>,
      %mul3A_1285 = arith.mulf %gather3A_1274, %gather3A_1284 : vector<16xf32>
      %add3A_1286 = arith.addf %add3A_1253, %mul3A_1285 : vector<16xf32>
      %add3A_1287 = arith.constant 2 : i32
      %add3A_1288 = vector.broadcast %add3A_1287 : i32 to vector<16xi32>
      %add3A_1289 = arith.addi %mul3A_405, %add3A_1288 : vector<16xi32>
      %gather3A_1290 = tpu.vector_load_idx %arg10[%add3A_1289, %broadcast_in_dim3A_1273] : memref<2560x32xf32, #tpu.memory_space<vmem>>[vector<16xi32>, vector<16xi32>], vector<16xf32>,
      %mul3A_1291 = arith.mulf %gather3A_1274, %gather3A_1290 : vector<16xf32>
      %add3A_1292 = arith.addf %add3A_1259, %mul3A_1291 : vector<16xf32>
      %add3A_1293 = arith.constant 3 : i32
      %add3A_1294 = vector.broadcast %add3A_1293 : i32 to vector<16xi32>
      %add3A_1295 = arith.addi %mul3A_405, %add3A_1294 : vector<16xi32>
      %gather3A_1296 = tpu.vector_load_idx %arg10[%add3A_1295, %broadcast_in_dim3A_1273] : memref<2560x32xf32, #tpu.memory_space<vmem>>[vector<16xi32>, vector<16xi32>], vector<16xf32>,
      %mul3A_1297 = arith.mulf %gather3A_1274, %gather3A_1296 : vector<16xf32>
      %add3A_1298 = arith.addf %add3A_1265, %mul3A_1297 : vector<16xf32>
      %add3A_1299 = arith.constant 4 : i32
      %add3A_1300 = vector.broadcast %add3A_1299 : i32 to vector<16xi32>
      %add3A_1301 = arith.addi %mul3A_405, %add3A_1300 : vector<16xi32>
      %gather3A_1302 = tpu.vector_load_idx %arg10[%add3A_1301, %broadcast_in_dim3A_1273] : memref<2560x32xf32, #tpu.memory_space<vmem>>[vector<16xi32>, vector<16xi32>], vector<16xf32>,
      %mul3A_1303 = arith.mulf %gather3A_1274, %gather3A_1302 : vector<16xf32>
      %add3A_1304 = arith.addf %add3A_1271, %mul3A_1303 : vector<16xf32>
      %broadcast_in_dim3A_1305 = arith.constant 27 : i32
      %broadcast_in_dim3A_1306 = vector.broadcast %broadcast_in_dim3A_1305 : i32 to vector<16xi32>
      %gather3A_1307 = tpu.vector_load_idx %arg9[%add3A_402, %broadcast_in_dim3A_1306] : memref<512x32xf32, #tpu.memory_space<vmem>>[vector<16xi32>, vector<16xi32>], vector<16xf32>,
      %add3A_1308 = arith.constant 0 : i32
      %add3A_1309 = vector.broadcast %add3A_1308 : i32 to vector<16xi32>
      %add3A_1310 = arith.addi %mul3A_405, %add3A_1309 : vector<16xi32>
      %gather3A_1311 = tpu.vector_load_idx %arg10[%add3A_1310, %broadcast_in_dim3A_1306] : memref<2560x32xf32, #tpu.memory_space<vmem>>[vector<16xi32>, vector<16xi32>], vector<16xf32>,
      %mul3A_1312 = arith.mulf %gather3A_1307, %gather3A_1311 : vector<16xf32>
      %add3A_1313 = arith.addf %add3A_1280, %mul3A_1312 : vector<16xf32>
      %add3A_1314 = arith.constant 1 : i32
      %add3A_1315 = vector.broadcast %add3A_1314 : i32 to vector<16xi32>
      %add3A_1316 = arith.addi %mul3A_405, %add3A_1315 : vector<16xi32>
      %gather3A_1317 = tpu.vector_load_idx %arg10[%add3A_1316, %broadcast_in_dim3A_1306] : memref<2560x32xf32, #tpu.memory_space<vmem>>[vector<16xi32>, vector<16xi32>], vector<16xf32>,
      %mul3A_1318 = arith.mulf %gather3A_1307, %gather3A_1317 : vector<16xf32>
      %add3A_1319 = arith.addf %add3A_1286, %mul3A_1318 : vector<16xf32>
      %add3A_1320 = arith.constant 2 : i32
      %add3A_1321 = vector.broadcast %add3A_1320 : i32 to vector<16xi32>
      %add3A_1322 = arith.addi %mul3A_405, %add3A_1321 : vector<16xi32>
      %gather3A_1323 = tpu.vector_load_idx %arg10[%add3A_1322, %broadcast_in_dim3A_1306] : memref<2560x32xf32, #tpu.memory_space<vmem>>[vector<16xi32>, vector<16xi32>], vector<16xf32>,
      %mul3A_1324 = arith.mulf %gather3A_1307, %gather3A_1323 : vector<16xf32>
      %add3A_1325 = arith.addf %add3A_1292, %mul3A_1324 : vector<16xf32>
      %add3A_1326 = arith.constant 3 : i32
      %add3A_1327 = vector.broadcast %add3A_1326 : i32 to vector<16xi32>
      %add3A_1328 = arith.addi %mul3A_405, %add3A_1327 : vector<16xi32>
      %gather3A_1329 = tpu.vector_load_idx %arg10[%add3A_1328, %broadcast_in_dim3A_1306] : memref<2560x32xf32, #tpu.memory_space<vmem>>[vector<16xi32>, vector<16xi32>], vector<16xf32>,
      %mul3A_1330 = arith.mulf %gather3A_1307, %gather3A_1329 : vector<16xf32>
      %add3A_1331 = arith.addf %add3A_1298, %mul3A_1330 : vector<16xf32>
      %add3A_1332 = arith.constant 4 : i32
      %add3A_1333 = vector.broadcast %add3A_1332 : i32 to vector<16xi32>
      %add3A_1334 = arith.addi %mul3A_405, %add3A_1333 : vector<16xi32>
      %gather3A_1335 = tpu.vector_load_idx %arg10[%add3A_1334, %broadcast_in_dim3A_1306] : memref<2560x32xf32, #tpu.memory_space<vmem>>[vector<16xi32>, vector<16xi32>], vector<16xf32>,
      %mul3A_1336 = arith.mulf %gather3A_1307, %gather3A_1335 : vector<16xf32>
      %add3A_1337 = arith.addf %add3A_1304, %mul3A_1336 : vector<16xf32>
      %broadcast_in_dim3A_1338 = arith.constant 28 : i32
      %broadcast_in_dim3A_1339 = vector.broadcast %broadcast_in_dim3A_1338 : i32 to vector<16xi32>
      %gather3A_1340 = tpu.vector_load_idx %arg9[%add3A_402, %broadcast_in_dim3A_1339] : memref<512x32xf32, #tpu.memory_space<vmem>>[vector<16xi32>, vector<16xi32>], vector<16xf32>,
      %add3A_1341 = arith.constant 0 : i32
      %add3A_1342 = vector.broadcast %add3A_1341 : i32 to vector<16xi32>
      %add3A_1343 = arith.addi %mul3A_405, %add3A_1342 : vector<16xi32>
      %gather3A_1344 = tpu.vector_load_idx %arg10[%add3A_1343, %broadcast_in_dim3A_1339] : memref<2560x32xf32, #tpu.memory_space<vmem>>[vector<16xi32>, vector<16xi32>], vector<16xf32>,
      %mul3A_1345 = arith.mulf %gather3A_1340, %gather3A_1344 : vector<16xf32>
      %add3A_1346 = arith.addf %add3A_1313, %mul3A_1345 : vector<16xf32>
      %add3A_1347 = arith.constant 1 : i32
      %add3A_1348 = vector.broadcast %add3A_1347 : i32 to vector<16xi32>
      %add3A_1349 = arith.addi %mul3A_405, %add3A_1348 : vector<16xi32>
      %gather3A_1350 = tpu.vector_load_idx %arg10[%add3A_1349, %broadcast_in_dim3A_1339] : memref<2560x32xf32, #tpu.memory_space<vmem>>[vector<16xi32>, vector<16xi32>], vector<16xf32>,
      %mul3A_1351 = arith.mulf %gather3A_1340, %gather3A_1350 : vector<16xf32>
      %add3A_1352 = arith.addf %add3A_1319, %mul3A_1351 : vector<16xf32>
      %add3A_1353 = arith.constant 2 : i32
      %add3A_1354 = vector.broadcast %add3A_1353 : i32 to vector<16xi32>
      %add3A_1355 = arith.addi %mul3A_405, %add3A_1354 : vector<16xi32>
      %gather3A_1356 = tpu.vector_load_idx %arg10[%add3A_1355, %broadcast_in_dim3A_1339] : memref<2560x32xf32, #tpu.memory_space<vmem>>[vector<16xi32>, vector<16xi32>], vector<16xf32>,
      %mul3A_1357 = arith.mulf %gather3A_1340, %gather3A_1356 : vector<16xf32>
      %add3A_1358 = arith.addf %add3A_1325, %mul3A_1357 : vector<16xf32>
      %add3A_1359 = arith.constant 3 : i32
      %add3A_1360 = vector.broadcast %add3A_1359 : i32 to vector<16xi32>
      %add3A_1361 = arith.addi %mul3A_405, %add3A_1360 : vector<16xi32>
      %gather3A_1362 = tpu.vector_load_idx %arg10[%add3A_1361, %broadcast_in_dim3A_1339] : memref<2560x32xf32, #tpu.memory_space<vmem>>[vector<16xi32>, vector<16xi32>], vector<16xf32>,
      %mul3A_1363 = arith.mulf %gather3A_1340, %gather3A_1362 : vector<16xf32>
      %add3A_1364 = arith.addf %add3A_1331, %mul3A_1363 : vector<16xf32>
      %add3A_1365 = arith.constant 4 : i32
      %add3A_1366 = vector.broadcast %add3A_1365 : i32 to vector<16xi32>
      %add3A_1367 = arith.addi %mul3A_405, %add3A_1366 : vector<16xi32>
      %gather3A_1368 = tpu.vector_load_idx %arg10[%add3A_1367, %broadcast_in_dim3A_1339] : memref<2560x32xf32, #tpu.memory_space<vmem>>[vector<16xi32>, vector<16xi32>], vector<16xf32>,
      %mul3A_1369 = arith.mulf %gather3A_1340, %gather3A_1368 : vector<16xf32>
      %add3A_1370 = arith.addf %add3A_1337, %mul3A_1369 : vector<16xf32>
      %broadcast_in_dim3A_1371 = arith.constant 29 : i32
      %broadcast_in_dim3A_1372 = vector.broadcast %broadcast_in_dim3A_1371 : i32 to vector<16xi32>
      %gather3A_1373 = tpu.vector_load_idx %arg9[%add3A_402, %broadcast_in_dim3A_1372] : memref<512x32xf32, #tpu.memory_space<vmem>>[vector<16xi32>, vector<16xi32>], vector<16xf32>,
      %add3A_1374 = arith.constant 0 : i32
      %add3A_1375 = vector.broadcast %add3A_1374 : i32 to vector<16xi32>
      %add3A_1376 = arith.addi %mul3A_405, %add3A_1375 : vector<16xi32>
      %gather3A_1377 = tpu.vector_load_idx %arg10[%add3A_1376, %broadcast_in_dim3A_1372] : memref<2560x32xf32, #tpu.memory_space<vmem>>[vector<16xi32>, vector<16xi32>], vector<16xf32>,
      %mul3A_1378 = arith.mulf %gather3A_1373, %gather3A_1377 : vector<16xf32>
      %add3A_1379 = arith.addf %add3A_1346, %mul3A_1378 : vector<16xf32>
      %add3A_1380 = arith.constant 1 : i32
      %add3A_1381 = vector.broadcast %add3A_1380 : i32 to vector<16xi32>
      %add3A_1382 = arith.addi %mul3A_405, %add3A_1381 : vector<16xi32>
      %gather3A_1383 = tpu.vector_load_idx %arg10[%add3A_1382, %broadcast_in_dim3A_1372] : memref<2560x32xf32, #tpu.memory_space<vmem>>[vector<16xi32>, vector<16xi32>], vector<16xf32>,
      %mul3A_1384 = arith.mulf %gather3A_1373, %gather3A_1383 : vector<16xf32>
      %add3A_1385 = arith.addf %add3A_1352, %mul3A_1384 : vector<16xf32>
      %add3A_1386 = arith.constant 2 : i32
      %add3A_1387 = vector.broadcast %add3A_1386 : i32 to vector<16xi32>
      %add3A_1388 = arith.addi %mul3A_405, %add3A_1387 : vector<16xi32>
      %gather3A_1389 = tpu.vector_load_idx %arg10[%add3A_1388, %broadcast_in_dim3A_1372] : memref<2560x32xf32, #tpu.memory_space<vmem>>[vector<16xi32>, vector<16xi32>], vector<16xf32>,
      %mul3A_1390 = arith.mulf %gather3A_1373, %gather3A_1389 : vector<16xf32>
      %add3A_1391 = arith.addf %add3A_1358, %mul3A_1390 : vector<16xf32>
      %add3A_1392 = arith.constant 3 : i32
      %add3A_1393 = vector.broadcast %add3A_1392 : i32 to vector<16xi32>
      %add3A_1394 = arith.addi %mul3A_405, %add3A_1393 : vector<16xi32>
      %gather3A_1395 = tpu.vector_load_idx %arg10[%add3A_1394, %broadcast_in_dim3A_1372] : memref<2560x32xf32, #tpu.memory_space<vmem>>[vector<16xi32>, vector<16xi32>], vector<16xf32>,
      %mul3A_1396 = arith.mulf %gather3A_1373, %gather3A_1395 : vector<16xf32>
      %add3A_1397 = arith.addf %add3A_1364, %mul3A_1396 : vector<16xf32>
      %add3A_1398 = arith.constant 4 : i32
      %add3A_1399 = vector.broadcast %add3A_1398 : i32 to vector<16xi32>
      %add3A_1400 = arith.addi %mul3A_405, %add3A_1399 : vector<16xi32>
      %gather3A_1401 = tpu.vector_load_idx %arg10[%add3A_1400, %broadcast_in_dim3A_1372] : memref<2560x32xf32, #tpu.memory_space<vmem>>[vector<16xi32>, vector<16xi32>], vector<16xf32>,
      %mul3A_1402 = arith.mulf %gather3A_1373, %gather3A_1401 : vector<16xf32>
      %add3A_1403 = arith.addf %add3A_1370, %mul3A_1402 : vector<16xf32>
      %broadcast_in_dim3A_1404 = arith.constant 30 : i32
      %broadcast_in_dim3A_1405 = vector.broadcast %broadcast_in_dim3A_1404 : i32 to vector<16xi32>
      %gather3A_1406 = tpu.vector_load_idx %arg9[%add3A_402, %broadcast_in_dim3A_1405] : memref<512x32xf32, #tpu.memory_space<vmem>>[vector<16xi32>, vector<16xi32>], vector<16xf32>,
      %add3A_1407 = arith.constant 0 : i32
      %add3A_1408 = vector.broadcast %add3A_1407 : i32 to vector<16xi32>
      %add3A_1409 = arith.addi %mul3A_405, %add3A_1408 : vector<16xi32>
      %gather3A_1410 = tpu.vector_load_idx %arg10[%add3A_1409, %broadcast_in_dim3A_1405] : memref<2560x32xf32, #tpu.memory_space<vmem>>[vector<16xi32>, vector<16xi32>], vector<16xf32>,
      %mul3A_1411 = arith.mulf %gather3A_1406, %gather3A_1410 : vector<16xf32>
      %add3A_1412 = arith.addf %add3A_1379, %mul3A_1411 : vector<16xf32>
      %add3A_1413 = arith.constant 1 : i32
      %add3A_1414 = vector.broadcast %add3A_1413 : i32 to vector<16xi32>
      %add3A_1415 = arith.addi %mul3A_405, %add3A_1414 : vector<16xi32>
      %gather3A_1416 = tpu.vector_load_idx %arg10[%add3A_1415, %broadcast_in_dim3A_1405] : memref<2560x32xf32, #tpu.memory_space<vmem>>[vector<16xi32>, vector<16xi32>], vector<16xf32>,
      %mul3A_1417 = arith.mulf %gather3A_1406, %gather3A_1416 : vector<16xf32>
      %add3A_1418 = arith.addf %add3A_1385, %mul3A_1417 : vector<16xf32>
      %add3A_1419 = arith.constant 2 : i32
      %add3A_1420 = vector.broadcast %add3A_1419 : i32 to vector<16xi32>
      %add3A_1421 = arith.addi %mul3A_405, %add3A_1420 : vector<16xi32>
      %gather3A_1422 = tpu.vector_load_idx %arg10[%add3A_1421, %broadcast_in_dim3A_1405] : memref<2560x32xf32, #tpu.memory_space<vmem>>[vector<16xi32>, vector<16xi32>], vector<16xf32>,
      %mul3A_1423 = arith.mulf %gather3A_1406, %gather3A_1422 : vector<16xf32>
      %add3A_1424 = arith.addf %add3A_1391, %mul3A_1423 : vector<16xf32>
      %add3A_1425 = arith.constant 3 : i32
      %add3A_1426 = vector.broadcast %add3A_1425 : i32 to vector<16xi32>
      %add3A_1427 = arith.addi %mul3A_405, %add3A_1426 : vector<16xi32>
      %gather3A_1428 = tpu.vector_load_idx %arg10[%add3A_1427, %broadcast_in_dim3A_1405] : memref<2560x32xf32, #tpu.memory_space<vmem>>[vector<16xi32>, vector<16xi32>], vector<16xf32>,
      %mul3A_1429 = arith.mulf %gather3A_1406, %gather3A_1428 : vector<16xf32>
      %add3A_1430 = arith.addf %add3A_1397, %mul3A_1429 : vector<16xf32>
      %add3A_1431 = arith.constant 4 : i32
      %add3A_1432 = vector.broadcast %add3A_1431 : i32 to vector<16xi32>
      %add3A_1433 = arith.addi %mul3A_405, %add3A_1432 : vector<16xi32>
      %gather3A_1434 = tpu.vector_load_idx %arg10[%add3A_1433, %broadcast_in_dim3A_1405] : memref<2560x32xf32, #tpu.memory_space<vmem>>[vector<16xi32>, vector<16xi32>], vector<16xf32>,
      %mul3A_1435 = arith.mulf %gather3A_1406, %gather3A_1434 : vector<16xf32>
      %add3A_1436 = arith.addf %add3A_1403, %mul3A_1435 : vector<16xf32>
      %broadcast_in_dim3A_1437 = arith.constant 31 : i32
      %broadcast_in_dim3A_1438 = vector.broadcast %broadcast_in_dim3A_1437 : i32 to vector<16xi32>
      %gather3A_1439 = tpu.vector_load_idx %arg9[%add3A_402, %broadcast_in_dim3A_1438] : memref<512x32xf32, #tpu.memory_space<vmem>>[vector<16xi32>, vector<16xi32>], vector<16xf32>,
      %add3A_1440 = arith.constant 0 : i32
      %add3A_1441 = vector.broadcast %add3A_1440 : i32 to vector<16xi32>
      %add3A_1442 = arith.addi %mul3A_405, %add3A_1441 : vector<16xi32>
      %gather3A_1443 = tpu.vector_load_idx %arg10[%add3A_1442, %broadcast_in_dim3A_1438] : memref<2560x32xf32, #tpu.memory_space<vmem>>[vector<16xi32>, vector<16xi32>], vector<16xf32>,
      %mul3A_1444 = arith.mulf %gather3A_1439, %gather3A_1443 : vector<16xf32>
      %add3A_1445 = arith.addf %add3A_1412, %mul3A_1444 : vector<16xf32>
      %add3A_1446 = arith.constant 1 : i32
      %add3A_1447 = vector.broadcast %add3A_1446 : i32 to vector<16xi32>
      %add3A_1448 = arith.addi %mul3A_405, %add3A_1447 : vector<16xi32>
      %gather3A_1449 = tpu.vector_load_idx %arg10[%add3A_1448, %broadcast_in_dim3A_1438] : memref<2560x32xf32, #tpu.memory_space<vmem>>[vector<16xi32>, vector<16xi32>], vector<16xf32>,
      %mul3A_1450 = arith.mulf %gather3A_1439, %gather3A_1449 : vector<16xf32>
      %add3A_1451 = arith.addf %add3A_1418, %mul3A_1450 : vector<16xf32>
      %add3A_1452 = arith.constant 2 : i32
      %add3A_1453 = vector.broadcast %add3A_1452 : i32 to vector<16xi32>
      %add3A_1454 = arith.addi %mul3A_405, %add3A_1453 : vector<16xi32>
      %gather3A_1455 = tpu.vector_load_idx %arg10[%add3A_1454, %broadcast_in_dim3A_1438] : memref<2560x32xf32, #tpu.memory_space<vmem>>[vector<16xi32>, vector<16xi32>], vector<16xf32>,
      %mul3A_1456 = arith.mulf %gather3A_1439, %gather3A_1455 : vector<16xf32>
      %add3A_1457 = arith.addf %add3A_1424, %mul3A_1456 : vector<16xf32>
      %add3A_1458 = arith.constant 3 : i32
      %add3A_1459 = vector.broadcast %add3A_1458 : i32 to vector<16xi32>
      %add3A_1460 = arith.addi %mul3A_405, %add3A_1459 : vector<16xi32>
      %gather3A_1461 = tpu.vector_load_idx %arg10[%add3A_1460, %broadcast_in_dim3A_1438] : memref<2560x32xf32, #tpu.memory_space<vmem>>[vector<16xi32>, vector<16xi32>], vector<16xf32>,
      %mul3A_1462 = arith.mulf %gather3A_1439, %gather3A_1461 : vector<16xf32>
      %add3A_1463 = arith.addf %add3A_1430, %mul3A_1462 : vector<16xf32>
      %add3A_1464 = arith.constant 4 : i32
      %add3A_1465 = vector.broadcast %add3A_1464 : i32 to vector<16xi32>
      %add3A_1466 = arith.addi %mul3A_405, %add3A_1465 : vector<16xi32>
      %gather3A_1467 = tpu.vector_load_idx %arg10[%add3A_1466, %broadcast_in_dim3A_1438] : memref<2560x32xf32, #tpu.memory_space<vmem>>[vector<16xi32>, vector<16xi32>], vector<16xf32>,
      %mul3A_1468 = arith.mulf %gather3A_1439, %gather3A_1467 : vector<16xf32>
      %add3A_1469 = arith.addf %add3A_1436, %mul3A_1468 : vector<16xf32>
      %add3A_1470 = arith.constant 0 : i32
      %add3A_1471 = vector.broadcast %add3A_1470 : i32 to vector<16xi32>
      %add3A_1472 = arith.addi %mul3A_405, %add3A_1471 : vector<16xi32>
      tpu.vector_store_idx %arg11[%add3A_1472], %add3A_1445 : memref<2560xf32, #tpu.memory_space<vmem>>[vector<16xi32>], vector<16xf32>,
      %add3A_1473 = arith.constant 1 : i32
      %add3A_1474 = vector.broadcast %add3A_1473 : i32 to vector<16xi32>
      %add3A_1475 = arith.addi %mul3A_405, %add3A_1474 : vector<16xi32>
      tpu.vector_store_idx %arg11[%add3A_1475], %add3A_1451 : memref<2560xf32, #tpu.memory_space<vmem>>[vector<16xi32>], vector<16xf32>,
      %add3A_1476 = arith.constant 2 : i32
      %add3A_1477 = vector.broadcast %add3A_1476 : i32 to vector<16xi32>
      %add3A_1478 = arith.addi %mul3A_405, %add3A_1477 : vector<16xi32>
      tpu.vector_store_idx %arg11[%add3A_1478], %add3A_1457 : memref<2560xf32, #tpu.memory_space<vmem>>[vector<16xi32>], vector<16xf32>,
      %add3A_1479 = arith.constant 3 : i32
      %add3A_1480 = vector.broadcast %add3A_1479 : i32 to vector<16xi32>
      %add3A_1481 = arith.addi %mul3A_405, %add3A_1480 : vector<16xi32>
      tpu.vector_store_idx %arg11[%add3A_1481], %add3A_1463 : memref<2560xf32, #tpu.memory_space<vmem>>[vector<16xi32>], vector<16xf32>,
      %add3A_1482 = arith.constant 4 : i32
      %add3A_1483 = vector.broadcast %add3A_1482 : i32 to vector<16xi32>
      %add3A_1484 = arith.addi %mul3A_405, %add3A_1483 : vector<16xi32>
      tpu.vector_store_idx %arg11[%add3A_1484], %add3A_1469 : memref<2560xf32, #tpu.memory_space<vmem>>[vector<16xi32>], vector<16xf32>,
    }
    %scan3A_393 = arith.constant 32 : i32
    %mul3A_394 = arith.constant 512 : i32
    %mul3A_395 = arith.muli %add3A, %mul3A_394 : i32
    %mul3A_396 = arith.constant 5 : i32
    %mul3A_397 = arith.muli %mul3A_395, %mul3A_396 : i32
    "tpu.region"() ({
      %run_scoped3A = tpu.sem_alloc : memref<!tpu.dma_semaphore, #tpu.memory_space<semaphore_mem>>
      %dma_start3A_398 = tpu.memref_slice %arg6[%mul3A_397] : memref<81920xf32, #tpu.memory_space<hbm>> -> memref<2560xf32, #tpu.memory_space<hbm>>
      %dma_start3A_399 = tpu.memref_slice %arg6[%mul3A_397] : memref<81920xf32, #tpu.memory_space<hbm>> -> memref<2560xf32, #tpu.memory_space<hbm>>
      tpu.enqueue_dma source(%arg11 : memref<2560xf32, #tpu.memory_space<vmem>>) target(%dma_start3A_399 : memref<2560xf32, #tpu.memory_space<hbm>>) target_semaphore(%run_scoped3A : memref<!tpu.dma_semaphore, #tpu.memory_space<semaphore_mem>>)
      %dma_wait3A_400 = tpu.memref_slice %arg6[%mul3A_397] : memref<81920xf32, #tpu.memory_space<hbm>> -> memref<2560xf32, #tpu.memory_space<hbm>>
      %dma_wait3A_401 = tpu.memref_slice %arg6[%mul3A_397] : memref<81920xf32, #tpu.memory_space<hbm>> -> memref<2560xf32, #tpu.memory_space<hbm>>
      tpu.wait_dma2 semaphore(%run_scoped3A : memref<!tpu.dma_semaphore, #tpu.memory_space<semaphore_mem>>) src(%arg11 : memref<2560xf32, #tpu.memory_space<vmem>>) dst(%dma_wait3A_401 : memref<2560xf32, #tpu.memory_space<hbm>>)
      tpu.yield
    }) : () -> ()
    return
  }
}

</mosaic_0001>

<sc_bundles>
// kernel: kernel.3.cloned.1.call-start
scs
__scs_entry_jumppad:
0x0: {  	(pc) =	sbr.rel $0x88, $3  }
0x1: {  	(tag) =	ssettag $0x0;
	lr =	simm.s32 $0x1  }
0x2: {  	[smem:$0x3F9D] =	sst lr;
	_ =	strace $0xD0000000  }
0x3: {  	_ = 	snop  }
0x4: {  	_ = 	snop  }
0x5: {  	_ = 	snop  }
0x6: {  	_ = 	snop  }
0x7: {  	_ = 	snop  }
__scs_overlays_trampoline_lowered:
0x8: {  	[smem:$0x3FAC] =	sst s0  }
0x9: {  	[smem:$0x3FAD] =	sst s1  }
0xa: {  	[smem:$0x3FAE] =	sst s2  }
0xb: {  	[smem:$0x3FAF] =	sst s3  }
0xc: {  	[smem:$0x3FB0] =	sst s4  }
0xd: {  	[smem:$0x3FB1] =	sst s5  }
0xe: {  	[smem:$0x3FB2] =	sst s6  }
0xf: {  	[smem:$0x3FB3] =	sst s7  }
0x10: {  	[smem:$0x3FB4] =	sst s8  }
0x11: {  	[smem:$0x3FB5] =	sst s9;
	s0 =	simm.s32 @!p0 $0x0  }
0x12: {  	s1 =	sld [smem:$0x3F9B];
	s0 =	simm.s32 @p0 $0x1  }
0x13: {  	[smem:$0x3FB6] =	sst s0;
	s0 =	simm.s32 @!p1 $0x0  }
0x14: {  	s2 =	sld [smem:$0x3F9A];
	s0 =	simm.s32 @p1 $0x1  }
0x15: {  	[smem:$0x3FB7] =	sst s0;
	s0 =	simm.s32 @!p2 $0x0  }
0x16: {  	s3 =	sld [smem:$0x3FDB];
	s0 =	simm.s32 @p2 $0x1  }
0x17: {  	s4 =	simm.s32 $0x1BF5;
	[smem:$0x3FB9] =	sst s0  }
0x18: {  	s0 =	sld [smem:$0x3F9C];
	_ =	swait.ge [sflag:s4], $0x0  }
0x19: {  	s7 =	sld [smem:$0x3F9D]  }
0x1a: {  	s8 =	sadd.s32 $0xFFFFE003, lr  }
0x1b: {  	s9 =	sadd.s32 $0xFFFFFEF7, lr;
	s5 =	simm.s32 $0xFFFFFFFF;
	p2 =	slt.u32 s8, $0xFFFFF086  }
0x1c: {  	p1 =	slt.u32 s9, $0xF7A;
	s5 =	simm.s32 @!p2 $0x0  }
0x1d: {  	s5 =	simm.s32 @p1 $0x1;
	p0 =	seq.s32 s7, s2  }
0x1e: {  	s7 =	smul.u32 @!p0 $0xF7A, s2;
	p2 =	seq.s32 @!p0 s5, $0x0  }
0x1f: {  	s9 =	smul.u32 $0xF7A, s1;
	s8 =	simm.s32 @!p0 $0x1BF5;
	p2 =	por !p2, p0  }
0x20: {  	[sflag:s8] =	ssyncset.s32 @!p0 $0xFFFFF086;
	s6 =	sadd.s32 @!p0 s3, s7;
	s7 =	simm.s32 @!p0 $0x108  }
0x21: {  	s3 =	sadd.s32 s3, s9;
	s6 =	sadd.s32 @!p0 $0x88, s6;
	s7 =	simm.s32 @p2 $0x1082  }
0x22: {  	[simem:s7], [sflag:s8] =	dma.local @!p0 [hbm:s6], $0xF7A  }
0x23: {  	s9 =	sor.u32 $0xD0000000, s2;
	s6 =	simm.s32 $0x108;
	_ =	swait.ge @!p0 [sflag:s8], $0x0  }
0x24: {  	s3 =	sadd.s32 $0x88, s3;
	s6 =	simm.s32 @!p1 $0x1082;
	[sflag:s4] =	ssyncset.s32 $0xFFFFF086  }
0x25: {  	[simem:s6], [sflag:s4] =	dma.local [hbm:s3], $0xF7A  }
0x26: {  	[smem:$0x3F9D] =	sst s1;
	(tag) =	ssettag s2;
	_ =	strace s9  }
0x27: {  	s1 =	sld [smem:$0x3FAD]  }
0x28: {  	s2 =	sld [smem:$0x3FAE]  }
0x29: {  	s4 =	sld [smem:$0x3FB0]  }
0x2a: {  	p0 =	seq.s32 s5, $0x0;
	s5 =	sld [smem:$0x3FB1]  }
0x2b: {  	s6 =	sld [smem:$0x3FB2]  }
0x2c: {  	s7 =	sld [smem:$0x3FB3]  }
0x2d: {  	s3 =	simm.s32 $0x108;
	s8 =	sld [smem:$0x3FB4]  }
0x2e: {  	s3 =	simm.s32 @!p0 $0x1082;
	s9 =	sld [smem:$0x3FB5]  }
0x2f: {  	lr =	sadd.s32 s0, s3;
	s0 =	sld [smem:$0x3FAC]  }
0x30: {  	s3 =	sld [smem:$0x3FAF]  }
0x31: {  	[smem:$0x3FB8] =	sst s10  }
0x32: {  	s10 =	sld [smem:$0x3FB6];
	_ =	sdelay $0x3  }
0x33: {  	p0 =	seq.s32 s10, $0x1;
	s10 =	sld [smem:$0x3FB8];
	_ =	sdelay $0x3  }
0x34: {  	[smem:$0x3FB8] =	sst s10  }
0x35: {  	s10 =	sld [smem:$0x3FB7];
	_ =	sdelay $0x3  }
0x36: {  	p1 =	seq.s32 s10, $0x1;
	s10 =	sld [smem:$0x3FB8];
	_ =	sdelay $0x3  }
0x37: {  	[smem:$0x3FB8] =	sst s10  }
0x38: {  	s10 =	sld [smem:$0x3FB9]  }
0x39: {  	_ = 	snop;
	(pc) =	sbr.ind lr, $3  }
0x3a: {  	_ = 	snop  }
0x3b: {  	_ = 	snop  }
0x3c: {  	p2 =	seq.s32 s10, $0x1;
	s10 =	sld [smem:$0x3FB8]  }
0x3d: {  	_ =	shalt  }
0x3e: {  	_ =	shalt  }
0x3f: {  	_ =	shalt  }
0x40: {  	_ =	shalt  }
0x41: {  	_ =	shalt  }
0x42: {  	_ =	shalt  }
0x43: {  	_ =	shalt  }
0x44: {  	_ =	shalt  }
0x45: {  	_ =	shalt  }
0x46: {  	_ =	shalt  }
0x47: {  	_ =	shalt  }
0x48: {  	_ =	shalt  }
0x49: {  	_ =	shalt  }
0x4a: {  	_ =	shalt  }
0x4b: {  	_ =	shalt  }
0x4c: {  	_ =	shalt  }
0x4d: {  	_ =	shalt  }
0x4e: {  	_ =	shalt  }
0x4f: {  	_ =	shalt  }
0x50: {  	_ =	shalt  }
0x51: {  	_ =	shalt  }
0x52: {  	_ =	shalt  }
0x53: {  	_ =	shalt  }
0x54: {  	_ =	shalt  }
0x55: {  	_ =	shalt  }
0x56: {  	_ =	shalt  }
0x57: {  	_ =	shalt  }
0x58: {  	_ =	shalt  }
0x59: {  	_ =	shalt  }
0x5a: {  	_ =	shalt  }
0x5b: {  	_ =	shalt  }
0x5c: {  	_ =	shalt  }
0x5d: {  	_ =	shalt  }
0x5e: {  	_ =	shalt  }
0x5f: {  	_ =	shalt  }
0x60: {  	_ =	shalt  }
0x61: {  	_ =	shalt  }
0x62: {  	_ =	shalt  }
0x63: {  	_ =	shalt  }
0x64: {  	_ =	shalt  }
0x65: {  	_ =	shalt  }
0x66: {  	_ =	shalt  }
0x67: {  	_ =	shalt  }
0x68: {  	_ =	shalt  }
0x69: {  	_ =	shalt  }
0x6a: {  	_ =	shalt  }
0x6b: {  	_ =	shalt  }
0x6c: {  	_ =	shalt  }
0x6d: {  	_ =	shalt  }
0x6e: {  	_ =	shalt  }
0x6f: {  	_ =	shalt  }
0x70: {  	_ =	shalt  }
0x71: {  	_ =	shalt  }
0x72: {  	_ =	shalt  }
0x73: {  	_ =	shalt  }
0x74: {  	_ =	shalt  }
0x75: {  	_ =	shalt  }
0x76: {  	_ =	shalt  }
0x77: {  	_ =	shalt  }
0x78: {  	_ =	shalt  }
0x79: {  	_ =	shalt  }
0x7a: {  	_ =	shalt  }
0x7b: {  	_ =	shalt  }
0x7c: {  	_ =	shalt  }
0x7d: {  	_ =	shalt  }
0x7e: {  	_ =	shalt  }
0x7f: {  	_ =	shalt  }
0x80: {  	_ =	shalt  }
0x81: {  	_ =	shalt  }
0x82: {  	_ =	shalt  }
0x83: {  	_ =	shalt  }
0x84: {  	_ =	shalt  }
0x85: {  	_ =	shalt  }
0x86: {  	_ =	shalt  }
0x87: {  	_ =	shalt  }
.Lfunc_end0:
.L_simem_size_0:
called_computation_lowered:
.L_overlay_start_0:
0x88: {  	s2 =	sld [smem:$0x3FD9]  }
0x89: {  	s3 =	sld [smem:$0x3FFE];
	_ =	sdelay $0x1  }
0x8a: {  	s1 =	srdreg.scid  }
0x8b: {  	s0 =	sand.u32 $0x1, s1  }
0x8c: {  	s17 =	sshll.u32 s0, $0xA;
	s2 =	sadd.s32 s3, s2  }
0x8d: {  	s2 =	sadd.s32 s2, s17  }
0x8e: {  	[smem:$0x3FC4] =	sst s2  }
0x8f: {  	_ = 	snop  }
0x90: {  	s2 =	sld [smem:$0x3FC9]  }
0x91: {  	s18 =	sld [smem:$0x3FD0];
	(tm) =	ssettm $0x1  }
0x92: {  	s4 =	sld [smem:$0x3FFB];
	_ =	sdelay $0x3  }
0x93: {  	_ =	strace s4  }
0x94: {  	s4 =	sld [smem:$0x3FFC];
	_ =	sdelay $0x3  }
0x95: {  	_ =	strace s4  }
0x96: {  	s4 =	sld [smem:$0x3FFD];
	_ =	sdelay $0x3  }
0x97: {  	_ =	strace s4  }
0x98: {  	_ =	strace $0x8FFFFFFF  }
0x99: {  	s19 =	sld [smem:$0x3FDB];
	_ =	sdelay $0x1  }
0x9a: {  	s5 =	simm.s32 $_scs_section_size  }
0x9b: {  	s6 =	simm.s32 $_size__tile_overlayer_lowered;
	s7 =	simm.s32 $_tile_overlayer_lowered  }
0x9c: {  	s22 =	simm.s32 $0x1BFF;
	s21 =	sshll.u32 s7, $0x1;
	s4 =	sadd.s32 s5, s19  }
0x9d: {  	s8 =	simm.s32 $0x0;
	s20 =	sshll.u32 s6, $0x1;
	s6 =	sadd.s32 s21, s4  }
0x9e: {  	[timem:s8], [sflag:s22] =	dma.local [hbm:s6], s20  }
0x9f: {  	_ =	swait.ge [sflag:s22], s20  }
0xa0: {  	s5 =	ssub.s32 $0x0, s20;
	[sflag:s22] =	ssyncset.done $0x0  }
0xa1: {  	[sflag:s22] =	ssyncadd.s32 s5;
	_ =	sdelay $0x1  }
0xa2: {  	s23 =	simm.s32 $0x1B8B  }
0xa3: {  	_ =	swait.ge [sflag:s23], $0x1  }
0xa4: {  	[sflag:s23] =	ssyncset.done $0x0  }
0xa5: {  	s25 =	simm.s32 $0x1B8E;
	s24 =	sld [smem:$0x3FFE];
	[sflag:s23] =	ssyncadd.s32 $0xFFFFFFFF  }
0xa6: {  	s26 =	simm.s32 $execute0_lowered;
	[smem:$0x3FD2] =	sst s25  }
0xa7: {  	s6 =	sshll.u32 s26, $0x1;
	_ =	strace $0x80000046;
	[dreg:$0x1] =	wrdreg $0xFFFFFFFF  }
0xa8: {  	s28 =	simm.s32 $_size_execute0_lowered;
	s4 =	sadd.s32 s4, s6;
	[dreg:$0x0] =	wrdreg $0x0  }
0xa9: {  	s6 =	sshll.u32 s28, $0x1;
	[dreg:$0x2] =	wrdreg s4  }
0xaa: {  	[dreg:$0x3] =	wrdreg s6  }
0xab: {  	[dreg:$0x4] =	wrdreg $0xC0  }
0xac: {  	_ =	task [dreg:s8], $0x5FFFF  }
0xad: {  	[dreg:$0x1] =	wrdreg $0xFFFFFFFF  }
0xae: {  	[dreg:$0x0] =	wrdreg $0x60  }
0xaf: {  	[dreg:$0x2] =	wrdreg s2  }
0xb0: {  	[dreg:$0x3] =	wrdreg s18  }
0xb1: {  	[dreg:$0x4] =	wrdreg s24  }
0xb2: {  	[dreg:$0x5] =	wrdreg $0x9  }
0xb3: {  	_ =	task.clear_ibuf [dreg:s8], $0x6FFFF;
	_ =	strace $0x90000046  }
0xb4: {  	s29 =	simm.s32 $0x9;
	_ =	strace $0x80000048  }
0xb5: {  	_ =	swait.ge [sflag:s29], $0x1  }
0xb6: {  	[sflag:s29] =	ssyncadd.s32 $0xFFFFFFFF  }
0xb7: {  	_ =	strace $0x90000048  }
0xb8: {  	_ =	sfence  }
0xb9: {  	s30 =	sld [smem:$0x0];
	_ =	sdelay $0x2  }
0xba: {  	s31 =	sshll.u32 s1, $0xD;
	s1 =	sshrl.u32 s1, $0x2  }
0xbb: {  	s3 =	sand.u32 $0x4000, s31;
	s1 =	sadd.s32 s1, s30  }
0xbc: {  	s0 =	sor.u32 s3, s0;
	s1 =	sshll.u32 s1, $0x11  }
0xbd: {  	s0 =	sor.u32 s1, s0  }
0xbe: {  	s0 =	sadd.s32 $0x8F2B, s0  }
0xbf: {  	[sflag:s0] =	ssyncadd.remote.s32 $0x1  }
0xc0: {  	_ =	sfence.sel $0xFFFF  }
0xc1: {  	[dreg:$0x0] =	wrdreg $0xFFFFFFFF;
	(pc) =	sbr.abs _section_cstart, $3  }
0xc2: {  	[dreg:$0x1] =	wrdreg $0xFFFFFFFF  }
0xc3: {  	_ =	task.clear_ibuf [dreg:s8], $0x2FFFF;
	_ =	strace $0x9FFFFFFF  }
0xc4: {  	(tm) =	ssettm $0x7FFFFFFF  }
0xc5: {  	_ =	shalt  }
tec
execute0_lowered:
.L_overlay_start_1:
0x0: {  	(tag) =	ssettag $0x1  }
0x1: {  	s0 =	rddreg [dreg:$0x0]  }
0x2: {  	s1 =	rddreg [dreg:$0x1]  }
0x3: {  	s5 =	rddreg [dreg:$0x2]  }
0x4: {  	s2 =	simm.s32 $0x0;
	s3 =	srdreg.scid;
	s6 =	stileid.u32  }
0x5: {  	s11 =	simm.s32 $0x80;
	s12 =	simm.s32 $0xC00;
	s18 =	simm.s32 $0x4C00  }
0x6: {  	s24 =	simm.s32 $0x880;
	s25 =	simm.s32 $0x11C00;
	s28 =	simm.s32 $0x12C00  }
0x7: {  	s29 =	simm.s32 $0x980;
	s30 =	simm.s32 $0x13C00;
	s31 =	simm.s32 $0xA00  }
0x8: {  	s13 =	simm.s32 $0x15C00;
	s14 =	simm.s32 $0xB00;
	s15 =	simm.s32 $0x16C00  }
0x9: {  	s16 =	simm.s32 $0xB80;
	s17 =	simm.s32 $0x17C00;
	s19 =	simm.s32 $0x1  }
0xa: {  	s20 =	simm.s32 $0x18C00;
	s21 =	simm.s32 $0x0;
	[smem:$0x7FF] =	sst s2  }
0xb: {  	s4 =	sand.u32 $0x1, s3;
	s26 =	sshll.u32 s6, $0x1;
	s3 =	sadd.s32 $0x1313400, s5  }
0xc: {  	_ =	strace $0x80000047;
	s6 =	sor.u32 s4, s26;
	s8 =	ssub.s32 $0x2, s4  }
0xd: {  	s4 =	sadd.s32 $0xF42A00, s5;
	s7 =	smul.u32 $0x140, s6;
	s9 =	sshrl.u32 s8, $0x1  }
0xe: {  	s26 =	simm.s32 $0x900;
	s6 =	sshll.u32 s6, $0x6;
	s8 =	ssub.s32 s8, s9  }
0xf: {  	s9 =	simm.s32 $0x2;
	s10 =	sadd.s32 s7, s5;
	s5 =	sadd.s32 s0, s6  }
0x10: {  	s6 =	sadd.s32 s1, s7;
	s8 =	smax.u32 s8, $0x1;
	s0 =	simm.s32 $0x14C00  }
0x11: {  	v0 =	vlaneseq.u32;
	s1 =	simm.s32 $0xA80;
	s7 =	sadd.s32 $0x600, s10;
	s10 =	simm.s32 $0x200  }
.LBB2_1:
0x12: {  	[tilespmem:s2], [sflag:$0x2] =	stream.linear.gather [hbm4b:s5+s2], $0x200, $0x38;
	[tilespmem:$0x19600] =	vst v63  }
0x13: {  	_ =	swait.ge [sflag:s9], $0x200  }
0x14: {  	[sflag:s9] =	ssyncset.done $0x0  }
0x15: {  	[sflag:s9] =	ssyncadd.s32 $0xFFFFFE00  }
0x16: {  	[tilespmem:s10], [sflag:$0x2] =	stream.linear.gather [hbm4b:s6+s2], $0xA00, $0x38;
	[tilespmem:$0x19600] =	vst v63  }
0x17: {  	_ =	swait.ge [sflag:s9], $0xA00  }
0x18: {  	[sflag:s9] =	ssyncset.done $0x0  }
0x19: {  	[sflag:s9] =	ssyncadd.s32 $0xFFFFF600  }
0x1a: {  	[tilespmem:s12], [sflag:$0x1] =	stream.indirect.gather [hbm4b:s3+s11], $0x20, s2, s11, $0xb8;
	[tilespmem:$0x19600] =	vst v63  }
0x1b: {  	s22 =	simm.s32 $0x1C00  }
0x1c: {  	[tilespmem:s22], [sflag:$0x1] =	stream.indirect.gather [hbm4b:s3+s11], $0x20, s11, s11, $0xb8;
	[tilespmem:$0x19600] =	vst v63  }
0x1d: {  	s23 =	simm.s32 $0x2C00;
	s22 =	simm.s32 $0x100  }
0x1e: {  	[tilespmem:s23], [sflag:$0x1] =	stream.indirect.gather [hbm4b:s3+s11], $0x20, s22, s11, $0xb8;
	[tilespmem:$0x19600] =	vst v63  }
0x1f: {  	s22 =	simm.s32 $0x180;
	s23 =	simm.s32 $0x3C00  }
0x20: {  	[tilespmem:s23], [sflag:$0x1] =	stream.indirect.gather [hbm4b:s3+s11], $0x20, s22, s11, $0xb8;
	[tilespmem:$0x19600] =	vst v63  }
0x21: {  	_ = 	snop  }
0x22: {  	[tilespmem:s18], [sflag:$0x1] =	stream.indirect.gather [hbm4b:s4+s11], $0x20, s10, s11, $0xb8;
	[tilespmem:$0x19600] =	vst v63  }
0x23: {  	s22 =	simm.s32 $0x280;
	s23 =	simm.s32 $0x5C00  }
0x24: {  	[tilespmem:s23], [sflag:$0x1] =	stream.indirect.gather [hbm4b:s4+s11], $0x20, s22, s11, $0xb8;
	[tilespmem:$0x19600] =	vst v63  }
0x25: {  	s22 =	simm.s32 $0x300;
	s23 =	simm.s32 $0x6C00  }
0x26: {  	[tilespmem:s23], [sflag:$0x1] =	stream.indirect.gather [hbm4b:s4+s11], $0x20, s22, s11, $0xb8;
	[tilespmem:$0x19600] =	vst v63  }
0x27: {  	s22 =	simm.s32 $0x380;
	s23 =	simm.s32 $0x7C00  }
0x28: {  	[tilespmem:s23], [sflag:$0x1] =	stream.indirect.gather [hbm4b:s4+s11], $0x20, s22, s11, $0xb8;
	[tilespmem:$0x19600] =	vst v63  }
0x29: {  	s22 =	simm.s32 $0x400;
	s23 =	simm.s32 $0x8C00  }
0x2a: {  	[tilespmem:s23], [sflag:$0x1] =	stream.indirect.gather [hbm4b:s4+s11], $0x20, s22, s11, $0xb8;
	[tilespmem:$0x19600] =	vst v63  }
0x2b: {  	s22 =	simm.s32 $0x480;
	s23 =	simm.s32 $0x9C00  }
0x2c: {  	[tilespmem:s23], [sflag:$0x1] =	stream.indirect.gather [hbm4b:s4+s11], $0x20, s22, s11, $0xb8;
	[tilespmem:$0x19600] =	vst v63  }
0x2d: {  	s22 =	simm.s32 $0x500;
	s23 =	simm.s32 $0xAC00  }
0x2e: {  	[tilespmem:s23], [sflag:$0x1] =	stream.indirect.gather [hbm4b:s4+s11], $0x20, s22, s11, $0xb8;
	[tilespmem:$0x19600] =	vst v63  }
0x2f: {  	s22 =	simm.s32 $0x580;
	s23 =	simm.s32 $0xBC00  }
0x30: {  	[tilespmem:s23], [sflag:$0x1] =	stream.indirect.gather [hbm4b:s4+s11], $0x20, s22, s11, $0xb8;
	[tilespmem:$0x19600] =	vst v63  }
0x31: {  	s22 =	simm.s32 $0x600;
	s23 =	simm.s32 $0xCC00  }
0x32: {  	[tilespmem:s23], [sflag:$0x1] =	stream.indirect.gather [hbm4b:s4+s11], $0x20, s22, s11, $0xb8;
	[tilespmem:$0x19600] =	vst v63  }
0x33: {  	s22 =	simm.s32 $0x680;
	s23 =	simm.s32 $0xDC00  }
0x34: {  	[tilespmem:s23], [sflag:$0x1] =	stream.indirect.gather [hbm4b:s4+s11], $0x20, s22, s11, $0xb8;
	[tilespmem:$0x19600] =	vst v63  }
0x35: {  	s22 =	simm.s32 $0x700;
	s23 =	simm.s32 $0xEC00  }
0x36: {  	[tilespmem:s23], [sflag:$0x1] =	stream.indirect.gather [hbm4b:s4+s11], $0x20, s22, s11, $0xb8;
	[tilespmem:$0x19600] =	vst v63  }
0x37: {  	s22 =	simm.s32 $0x780;
	s23 =	simm.s32 $0xFC00  }
0x38: {  	[tilespmem:s23], [sflag:$0x1] =	stream.indirect.gather [hbm4b:s4+s11], $0x20, s22, s11, $0xb8;
	[tilespmem:$0x19600] =	vst v63  }
0x39: {  	s22 =	simm.s32 $0x800;
	s23 =	simm.s32 $0x10C00  }
0x3a: {  	[tilespmem:s23], [sflag:$0x1] =	stream.indirect.gather [hbm4b:s4+s11], $0x20, s22, s11, $0xb8;
	[tilespmem:$0x19600] =	vst v63  }
0x3b: {  	_ = 	snop  }
0x3c: {  	[tilespmem:s25], [sflag:$0x1] =	stream.indirect.gather [hbm4b:s4+s11], $0x20, s24, s11, $0xb8;
	[tilespmem:$0x19600] =	vst v63  }
0x3d: {  	_ = 	snop  }
0x3e: {  	[tilespmem:s28], [sflag:$0x1] =	stream.indirect.gather [hbm4b:s4+s11], $0x20, s26, s11, $0xb8;
	[tilespmem:$0x19600] =	vst v63  }
0x3f: {  	_ = 	snop  }
0x40: {  	[tilespmem:s30], [sflag:$0x1] =	stream.indirect.gather [hbm4b:s4+s11], $0x20, s29, s11, $0xb8;
	[tilespmem:$0x19600] =	vst v63  }
0x41: {  	_ = 	snop  }
0x42: {  	[tilespmem:s0], [sflag:$0x1] =	stream.indirect.gather [hbm4b:s4+s11], $0x20, s31, s11, $0xb8;
	[tilespmem:$0x19600] =	vst v63  }
0x43: {  	_ = 	snop  }
0x44: {  	[tilespmem:s13], [sflag:$0x1] =	stream.indirect.gather [hbm4b:s4+s11], $0x20, s1, s11, $0xb8;
	[tilespmem:$0x19600] =	vst v63  }
0x45: {  	_ = 	snop  }
0x46: {  	[tilespmem:s15], [sflag:$0x1] =	stream.indirect.gather [hbm4b:s4+s11], $0x20, s14, s11, $0xb8;
	[tilespmem:$0x19600] =	vst v63  }
0x47: {  	_ = 	snop  }
0x48: {  	[tilespmem:s17], [sflag:$0x1] =	stream.indirect.gather [hbm4b:s4+s11], $0x20, s16, s11, $0xb8;
	[tilespmem:$0x19600] =	vst v63  }
0x49: {  	_ =	swait.ge [sflag:s19], $0x1000  }
0x4a: {  	[sflag:s19] =	ssyncset.done $0x0  }
0x4b: {  	[sflag:s19] =	ssyncadd.s32 $0xFFFFF000  }
0x4c: {  	_ =	swait.ge [sflag:s19], $0x1000  }
0x4d: {  	[sflag:s19] =	ssyncset.done $0x0  }
0x4e: {  	[sflag:s19] =	ssyncadd.s32 $0xFFFFF000  }
0x4f: {  	_ =	swait.ge [sflag:s19], $0x1000  }
0x50: {  	[sflag:s19] =	ssyncset.done $0x0  }
0x51: {  	[sflag:s19] =	ssyncadd.s32 $0xFFFFF000  }
0x52: {  	_ =	swait.ge [sflag:s19], $0x1000  }
0x53: {  	[sflag:s19] =	ssyncset.done $0x0  }
0x54: {  	[sflag:s19] =	ssyncadd.s32 $0xFFFFF000  }
0x55: {  	_ =	swait.ge [sflag:s19], $0x1000  }
0x56: {  	[sflag:s19] =	ssyncset.done $0x0  }
0x57: {  	[sflag:s19] =	ssyncadd.s32 $0xFFFFF000  }
0x58: {  	_ =	swait.ge [sflag:s19], $0x1000  }
0x59: {  	[sflag:s19] =	ssyncset.done $0x0  }
0x5a: {  	[sflag:s19] =	ssyncadd.s32 $0xFFFFF000  }
0x5b: {  	_ =	swait.ge [sflag:s19], $0x1000  }
0x5c: {  	[sflag:s19] =	ssyncset.done $0x0  }
0x5d: {  	[sflag:s19] =	ssyncadd.s32 $0xFFFFF000  }
0x5e: {  	_ =	swait.ge [sflag:s19], $0x1000  }
0x5f: {  	[sflag:s19] =	ssyncset.done $0x0  }
0x60: {  	[sflag:s19] =	ssyncadd.s32 $0xFFFFF000  }
0x61: {  	_ =	swait.ge [sflag:s19], $0x1000  }
0x62: {  	[sflag:s19] =	ssyncset.done $0x0  }
0x63: {  	[sflag:s19] =	ssyncadd.s32 $0xFFFFF000  }
0x64: {  	_ =	swait.ge [sflag:s19], $0x1000  }
0x65: {  	[sflag:s19] =	ssyncset.done $0x0  }
0x66: {  	[sflag:s19] =	ssyncadd.s32 $0xFFFFF000  }
0x67: {  	_ =	swait.ge [sflag:s19], $0x1000  }
0x68: {  	[sflag:s19] =	ssyncset.done $0x0  }
0x69: {  	[sflag:s19] =	ssyncadd.s32 $0xFFFFF000  }
0x6a: {  	_ =	swait.ge [sflag:s19], $0x1000  }
0x6b: {  	[sflag:s19] =	ssyncset.done $0x0  }
0x6c: {  	[sflag:s19] =	ssyncadd.s32 $0xFFFFF000  }
0x6d: {  	_ =	swait.ge [sflag:s19], $0x1000  }
0x6e: {  	[sflag:s19] =	ssyncset.done $0x0  }
0x6f: {  	[sflag:s19] =	ssyncadd.s32 $0xFFFFF000  }
0x70: {  	_ =	swait.ge [sflag:s19], $0x1000  }
0x71: {  	[sflag:s19] =	ssyncset.done $0x0  }
0x72: {  	[sflag:s19] =	ssyncadd.s32 $0xFFFFF000  }
0x73: {  	_ =	swait.ge [sflag:s19], $0x1000  }
0x74: {  	[sflag:s19] =	ssyncset.done $0x0  }
0x75: {  	[sflag:s19] =	ssyncadd.s32 $0xFFFFF000  }
0x76: {  	_ =	swait.ge [sflag:s19], $0x1000  }
0x77: {  	[sflag:s19] =	ssyncset.done $0x0  }
0x78: {  	[sflag:s19] =	ssyncadd.s32 $0xFFFFF000  }
0x79: {  	_ =	swait.ge [sflag:s19], $0x1000  }
0x7a: {  	[sflag:s19] =	ssyncset.done $0x0  }
0x7b: {  	[sflag:s19] =	ssyncadd.s32 $0xFFFFF000  }
0x7c: {  	_ =	swait.ge [sflag:s19], $0x1000  }
0x7d: {  	[sflag:s19] =	ssyncset.done $0x0  }
0x7e: {  	[sflag:s19] =	ssyncadd.s32 $0xFFFFF000  }
0x7f: {  	_ =	swait.ge [sflag:s19], $0x1000  }
0x80: {  	[sflag:s19] =	ssyncset.done $0x0  }
0x81: {  	[sflag:s19] =	ssyncadd.s32 $0xFFFFF000  }
0x82: {  	_ =	swait.ge [sflag:s19], $0x1000  }
0x83: {  	[sflag:s19] =	ssyncset.done $0x0  }
0x84: {  	[sflag:s19] =	ssyncadd.s32 $0xFFFFF000  }
0x85: {  	_ =	swait.ge [sflag:s19], $0x1000  }
0x86: {  	[sflag:s19] =	ssyncset.done $0x0  }
0x87: {  	[sflag:s19] =	ssyncadd.s32 $0xFFFFF000  }
0x88: {  	_ =	swait.ge [sflag:s19], $0x1000  }
0x89: {  	[sflag:s19] =	ssyncset.done $0x0  }
0x8a: {  	[sflag:s19] =	ssyncadd.s32 $0xFFFFF000  }
0x8b: {  	_ =	swait.ge [sflag:s19], $0x1000  }
0x8c: {  	[sflag:s19] =	ssyncset.done $0x0  }
0x8d: {  	[sflag:s19] =	ssyncadd.s32 $0xFFFFF000  }
0x8e: {  	_ =	swait.ge [sflag:s19], $0x1000  }
0x8f: {  	[sflag:s19] =	ssyncset.done $0x0  }
0x90: {  	s22 =	simm.s32 $0x0;
	[sflag:s19] =	ssyncadd.s32 $0xFFFFF000  }
.LBB2_2:
0x91: {  	v2 =	vor.u32 s22, v0  }
0x92: {  	v11 =	vshll.u32 v2, $0x5;
	v10 =	vmul.u32 $0xA0, v2;
	_ =	sdelay $0x1  }
0x93: {  	v13 =	vor.u32 $0x1, v11  }
0x94: {  	v23 =	vor.u32 $0x2, v11  }
0x95: {  	v47 =	vor.u32 $0x3, v11  }
0x96: {  	v28 =	vor.u32 $0x6, v11;
	v14 =	vld.idx.msk [tilespmem:v11+s12+$0x0], $0xffff  }
0x97: {  	v16 =	vor.u32 $0x1, v10;
	v12 =	vld.idx.msk [tilespmem:v10+s18+$0x0], $0xffff  }
0x98: {  	v1 =	vmul.u32 $0x5, v2;
	v42 =	vor.u32 $0x2, v10;
	v27 =	vld.idx.msk [tilespmem:v13+s12+$0x0], $0xffff  }
0x99: {  	v54 =	vor.u32 $0x4, v10;
	v34 =	vld.idx.msk [tilespmem:v23+s12+$0x0], $0xffff  }
0x9a: {  	v2 =	vadd.s32 $0x1, v1;
	v29 =	vor.u32 $0x6, v10;
	v40 =	vld.idx.msk [tilespmem:v47+s12+$0x0], $0xffff  }
0x9b: {  	v3 =	vadd.s32 $0x2, v1;
	v9 =	vshll.u32 v2, $0x5;
	v13 =	vld.idx.msk [tilespmem:v28+s12+$0x0], $0xffff  }
0x9c: {  	v4 =	vadd.s32 $0x3, v1;
	v8 =	vshll.u32 v3, $0x5;
	v16 =	vld.idx.msk [tilespmem:v16+s18+$0x0], $0xffff  }
0x9d: {  	v5 =	vadd.s32 $0x4, v1;
	v7 =	vshll.u32 v4, $0x5;
	v35 =	vld.idx.msk [tilespmem:v42+s18+$0x0], $0xffff  }
0x9e: {  	v6 =	vshll.u32 v5, $0x5;
	v47 =	vld.idx.msk [tilespmem:v54+s18+$0x0], $0xffff  }
0x9f: {  	v17 =	vor.u32 $0x1, v9;
	v28 =	vld.idx.msk [tilespmem:v29+s18+$0x0], $0xffff  }
0xa0: {  	v19 =	vor.u32 $0x1, v8;
	v15 =	vld.idx.msk [tilespmem:v9+s18+$0x0], $0xffff  }
0xa1: {  	v21 =	vor.u32 $0x1, v7;
	v18 =	vld.idx.msk [tilespmem:v8+s18+$0x0], $0xffff  }
0xa2: {  	v41 =	vor.u32 $0x1, v6;
	v20 =	vld.idx.msk [tilespmem:v7+s18+$0x0], $0xffff  }
0xa3: {  	v43 =	vor.u32 $0x2, v9;
	v22 =	vld.idx.msk [tilespmem:v6+s18+$0x0], $0xffff  }
0xa4: {  	v44 =	vor.u32 $0x2, v8;
	v30 =	vld.idx.msk [tilespmem:v17+s18+$0x0], $0xffff  }
0xa5: {  	v45 =	vor.u32 $0x2, v7;
	v31 =	vld.idx.msk [tilespmem:v19+s18+$0x0], $0xffff  }
0xa6: {  	v46 =	vor.u32 $0x2, v6;
	v32 =	vld.idx.msk [tilespmem:v21+s18+$0x0], $0xffff  }
0xa7: {  	v48 =	vor.u32 $0x3, v10;
	v33 =	vld.idx.msk [tilespmem:v41+s18+$0x0], $0xffff  }
0xa8: {  	v49 =	vor.u32 $0x3, v9;
	v36 =	vld.idx.msk [tilespmem:v43+s18+$0x0], $0xffff  }
0xa9: {  	v50 =	vor.u32 $0x3, v8;
	v37 =	vld.idx.msk [tilespmem:v44+s18+$0x0], $0xffff  }
0xaa: {  	v51 =	vor.u32 $0x3, v7;
	v38 =	vld.idx.msk [tilespmem:v45+s18+$0x0], $0xffff  }
0xab: {  	v52 =	vor.u32 $0x3, v6;
	v39 =	vld.idx.msk [tilespmem:v46+s18+$0x0], $0xffff  }
0xac: {  	v53 =	vor.u32 $0x4, v11;
	v41 =	vld.idx.msk [tilespmem:v48+s18+$0x0], $0xffff  }
0xad: {  	v55 =	vor.u32 $0x4, v9;
	v42 =	vld.idx.msk [tilespmem:v49+s18+$0x0], $0xffff  }
0xae: {  	v56 =	vor.u32 $0x4, v8;
	v43 =	vld.idx.msk [tilespmem:v50+s18+$0x0], $0xffff  }
0xaf: {  	v57 =	vor.u32 $0x4, v7;
	v44 =	vld.idx.msk [tilespmem:v51+s18+$0x0], $0xffff  }
0xb0: {  	v58 =	vor.u32 $0x4, v6;
	v45 =	vld.idx.msk [tilespmem:v52+s18+$0x0], $0xffff  }
0xb1: {  	v59 =	vor.u32 $0x5, v11;
	v46 =	vld.idx.msk [tilespmem:v53+s12+$0x0], $0xffff  }
0xb2: {  	v60 =	vor.u32 $0x5, v10;
	v48 =	vld.idx.msk [tilespmem:v55+s18+$0x0], $0xffff  }
0xb3: {  	v61 =	vor.u32 $0x5, v9;
	v49 =	vld.idx.msk [tilespmem:v56+s18+$0x0], $0xffff  }
0xb4: {  	v62 =	vor.u32 $0x5, v8;
	v50 =	vld.idx.msk [tilespmem:v57+s18+$0x0], $0xffff  }
0xb5: {  	v24 =	vor.u32 $0x5, v7;
	v51 =	vld.idx.msk [tilespmem:v58+s18+$0x0], $0xffff  }
0xb6: {  	v63 =	vor.u32 $0x5, v6;
	v19 =	vld.idx.msk [tilespmem:v59+s12+$0x0], $0xffff  }
0xb7: {  	v25 =	vor.u32 $0x6, v8;
	v52 =	vld.idx.msk [tilespmem:v60+s18+$0x0], $0xffff  }
0xb8: {  	v26 =	vor.u32 $0x6, v6;
	v53 =	vld.idx.msk [tilespmem:v61+s18+$0x0], $0xffff  }
0xb9: {  	v54 =	vld.idx.msk [tilespmem:v62+s18+$0x0], $0xffff;
	v60 =	vor.u32 $0x6, v9  }
0xba: {  	v55 =	vld.idx.msk [tilespmem:v24+s18+$0x0], $0xffff;
	v61 =	vor.u32 $0x6, v7  }
0xbb: {  	v56 =	vld.idx.msk [tilespmem:v63+s18+$0x0], $0xffff;
	v57 =	vor.u32 $0x7, v11  }
0xbc: {  	v58 =	vor.u32 $0x7, v10;
	v29 =	vld.idx.msk [tilespmem:v25+s18+$0x0], $0xffff  }
0xbd: {  	v25 =	vor.u32 $0x7, v9;
	v17 =	vld.idx.msk [tilespmem:v26+s18+$0x0], $0xffff  }
0xbe: {  	v59 =	vor.u32 $0x7, v8;
	v62 =	vmul.f32 v12, v14;
	v16 =	vmul.f32 v16, v27;
	v24 =	vld.idx.msk [tilespmem:v60+s18+$0x0], $0xffff  }
0xbf: {  	v28 =	vmul.f32 v28, v13;
	v15 =	vmul.f32 v15, v14;
	v23 =	vld.idx.msk [tilespmem:v61+s18+$0x0], $0xffff;
	v60 =	vor.u32 $0x7, v7  }
0xc0: {  	v18 =	vmul.f32 v18, v14;
	v0 =	vmul.f32 v22, v14;
	v12 =	vld.idx.msk [tilespmem:v57+s12+$0x0], $0xffff;
	v57 =	vor.u32 $0x7, v6  }
0xc1: {  	v63 =	vmul.f32 v20, v14;
	v21 =	vld.idx.msk [tilespmem:v58+s18+$0x0], $0xffff;
	v58 =	vor.u32 $0x8, v11;
	v61 =	vadd.f32 $0.0e+00, v62  }
0xc2: {  	v25 =	vld.idx.msk [tilespmem:v25+s18+$0x0], $0xffff;
	v62 =	vor.u32 $0x8, v10;
	v33 =	vmul.f32 v33, v27;
	v0 =	vadd.f32 $0.0e+00, v0  }
0xc3: {  	v26 =	vld.idx.msk [tilespmem:v59+s18+$0x0], $0xffff;
	v59 =	vor.u32 $0x8, v9;
	v30 =	vmul.f32 v30, v27;
	v15 =	vadd.f32 $0.0e+00, v15  }
0xc4: {  	v0 =	vadd.f32 v33, v0;
	v33 =	vmul.f32 v35, v34;
	v35 =	vor.u32 $0x9, v8;
	v20 =	vld.idx.msk [tilespmem:v60+s18+$0x0], $0xffff  }
0xc5: {  	v36 =	vmul.f32 v36, v34;
	v63 =	vadd.f32 $0.0e+00, v63;
	v60 =	vor.u32 $0x8, v8;
	v22 =	vld.idx.msk [tilespmem:v57+s18+$0x0], $0xffff  }
0xc6: {  	v16 =	vadd.f32 v16, v61;
	v61 =	vadd.f32 v30, v15;
	v57 =	vor.u32 $0x8, v7;
	v14 =	vld.idx.msk [tilespmem:v58+s12+$0x0], $0xffff  }
0xc7: {  	v15 =	vor.u32 $0x8, v6;
	v30 =	vmul.f32 v31, v27;
	v31 =	vmul.f32 v32, v27;
	v32 =	vld.idx.msk [tilespmem:v62+s18+$0x0], $0xffff  }
0xc8: {  	v37 =	vmul.f32 v37, v34;
	v42 =	vmul.f32 v42, v40;
	v58 =	vor.u32 $0x9, v11;
	v59 =	vld.idx.msk [tilespmem:v59+s18+$0x0], $0xffff  }
0xc9: {  	v18 =	vadd.f32 $0.0e+00, v18;
	v62 =	vor.u32 $0x9, v10;
	v31 =	vadd.f32 v31, v63;
	v35 =	vld.idx.msk [tilespmem:v35+s18+$0x0], $0xffff  }
0xca: {  	v63 =	vor.u32 $0x9, v7;
	v16 =	vadd.f32 v33, v16;
	v33 =	vmul.f32 v38, v34;
	v27 =	vld.idx.msk [tilespmem:v60+s18+$0x0], $0xffff  }
0xcb: {  	v18 =	vadd.f32 v30, v18;
	v38 =	vor.u32 $0x9, v6;
	v36 =	vadd.f32 v36, v61;
	v30 =	vld.idx.msk [tilespmem:v57+s18+$0x0], $0xffff  }
0xcc: {  	v31 =	vadd.f32 v33, v31;
	v33 =	vmul.f32 v39, v34;
	v60 =	vor.u32 $0x9, v9;
	v57 =	vld.idx.msk [tilespmem:v15+s18+$0x0], $0xffff  }
0xcd: {  	v41 =	vmul.f32 v41, v40;
	v18 =	vadd.f32 v37, v18;
	v39 =	vor.u32 $0xA, v10;
	v15 =	vld.idx.msk [tilespmem:v58+s12+$0x0], $0xffff  }
0xce: {  	v36 =	vadd.f32 v42, v36;
	v42 =	vor.u32 $0xA, v7;
	v0 =	vadd.f32 v33, v0;
	v37 =	vld.idx.msk [tilespmem:v62+s18+$0x0], $0xffff  }
0xcf: {  	v33 =	vmul.f32 v43, v40;
	v58 =	vor.u32 $0xA, v11;
	v43 =	vld.idx.msk [tilespmem:v63+s18+$0x0], $0xffff;
	v63 =	vmul.f32 v44, v40  }
0xd0: {  	v50 =	vmul.f32 v50, v46;
	v52 =	vmul.f32 v52, v19;
	v38 =	vld.idx.msk [tilespmem:v38+s18+$0x0], $0xffff;
	v44 =	vor.u32 $0xA, v6  }
0xd1: {  	v31 =	vadd.f32 v63, v31;
	v63 =	vmul.f32 v48, v46;
	v34 =	vld.idx.msk [tilespmem:v60+s18+$0x0], $0xffff;
	v60 =	vor.u32 $0xA, v9  }
0xd2: {  	v54 =	vmul.f32 v54, v19;
	v61 =	vor.u32 $0xA, v8;
	v40 =	vmul.f32 v45, v40;
	v39 =	vld.idx.msk [tilespmem:v39+s18+$0x0], $0xffff  }
0xd3: {  	v18 =	vadd.f32 v33, v18;
	v42 =	vld.idx.msk [tilespmem:v42+s18+$0x0], $0xffff;
	v33 =	vadd.f32 v63, v36;
	v63 =	vor.u32 $0xB, v7  }
0xd4: {  	v41 =	vadd.f32 v41, v16;
	v62 =	vmul.f32 v47, v46;
	v47 =	vor.u32 $0xB, v11;
	v16 =	vld.idx.msk [tilespmem:v58+s12+$0x0], $0xffff  }
0xd5: {  	v55 =	vmul.f32 v55, v19;
	v45 =	vor.u32 $0xB, v9;
	v0 =	vadd.f32 v40, v0;
	v44 =	vld.idx.msk [tilespmem:v44+s18+$0x0], $0xffff  }
0xd6: {  	v31 =	vadd.f32 v50, v31;
	v50 =	vor.u32 $0xC, v11;
	v58 =	vor.u32 $0xB, v10;
	v48 =	vld.idx.msk [tilespmem:v60+s18+$0x0], $0xffff  }
0xd7: {  	v60 =	vadd.f32 v62, v41;
	v41 =	vld.idx.msk [tilespmem:v61+s18+$0x0], $0xffff;
	v61 =	vmul.f32 v49, v46;
	v46 =	vmul.f32 v51, v46  }
0xd8: {  	v29 =	vmul.f32 v29, v13;
	v62 =	vor.u32 $0xB, v8;
	v51 =	vld.idx.msk [tilespmem:v63+s18+$0x0], $0xffff;
	v63 =	vor.u32 $0xC, v8  }
0xd9: {  	v36 =	vadd.f32 v61, v18;
	v18 =	vld.idx.msk [tilespmem:v47+s12+$0x0], $0xffff;
	v47 =	vor.u32 $0xB, v6;
	v0 =	vadd.f32 v46, v0  }
0xda: {  	v45 =	vld.idx.msk [tilespmem:v45+s18+$0x0], $0xffff;
	v40 =	vadd.f32 v52, v60;
	v60 =	vmul.f32 v53, v19;
	v19 =	vmul.f32 v56, v19  }
0xdb: {  	v24 =	vmul.f32 v24, v13;
	v23 =	vmul.f32 v23, v13;
	v46 =	vld.idx.msk [tilespmem:v58+s18+$0x0], $0xffff;
	v61 =	vor.u32 $0xC, v10  }
0xdc: {  	v58 =	vor.u32 $0xD, v8;
	v33 =	vadd.f32 v60, v33;
	v0 =	vadd.f32 v19, v0;
	v19 =	vld.idx.msk [tilespmem:v50+s12+$0x0], $0xffff  }
0xdd: {  	v13 =	vmul.f32 v17, v13;
	v31 =	vadd.f32 v55, v31;
	v52 =	vor.u32 $0xD, v7;
	v49 =	vld.idx.msk [tilespmem:v62+s18+$0x0], $0xffff  }
0xde: {  	v21 =	vmul.f32 v21, v12;
	v60 =	vor.u32 $0xC, v6;
	v24 =	vadd.f32 v24, v33;
	v33 =	vld.idx.msk [tilespmem:v63+s18+$0x0], $0xffff  }
0xdf: {  	v20 =	vmul.f32 v20, v12;
	v23 =	vadd.f32 v23, v31;
	v62 =	vor.u32 $0xC, v9;
	v47 =	vld.idx.msk [tilespmem:v47+s18+$0x0], $0xffff  }
0xe0: {  	v25 =	vmul.f32 v25, v12;
	v36 =	vadd.f32 v54, v36;
	v63 =	vor.u32 $0xD, v9;
	v53 =	vld.idx.msk [tilespmem:v61+s18+$0x0], $0xffff  }
0xe1: {  	v30 =	vmul.f32 v30, v14;
	v20 =	vadd.f32 v20, v23;
	v61 =	vor.u32 $0xD, v11;
	v31 =	vld.idx.msk [tilespmem:v58+s18+$0x0], $0xffff  }
0xe2: {  	v54 =	vor.u32 $0xC, v7;
	v28 =	vadd.f32 v28, v40;
	v29 =	vadd.f32 v29, v36;
	v52 =	vld.idx.msk [tilespmem:v52+s18+$0x0], $0xffff  }
0xe3: {  	v0 =	vadd.f32 v13, v0;
	v36 =	vor.u32 $0xE, v10;
	v50 =	vld.idx.msk [tilespmem:v60+s18+$0x0], $0xffff;
	v60 =	vmul.f32 v26, v12  }
0xe4: {  	v21 =	vadd.f32 v21, v28;
	v12 =	vmul.f32 v22, v12;
	v22 =	vor.u32 $0xE, v7;
	v40 =	vld.idx.msk [tilespmem:v62+s18+$0x0], $0xffff  }
0xe5: {  	v62 =	vor.u32 $0xD, v10;
	v13 =	vadd.f32 v60, v29;
	v29 =	vld.idx.msk [tilespmem:v63+s18+$0x0], $0xffff;
	v63 =	vmul.f32 v32, v14  }
0xe6: {  	v35 =	vmul.f32 v35, v15;
	v43 =	vmul.f32 v43, v15;
	v26 =	vld.idx.msk [tilespmem:v61+s12+$0x0], $0xffff;
	v61 =	vor.u32 $0xD, v6  }
0xe7: {  	v20 =	vadd.f32 v30, v20;
	v17 =	vld.idx.msk [tilespmem:v54+s18+$0x0], $0xffff;
	v60 =	vadd.f32 v63, v21;
	v63 =	vor.u32 $0xF, v11  }
0xe8: {  	v58 =	vmul.f32 v59, v14;
	v59 =	vor.u32 $0xE, v8;
	v24 =	vadd.f32 v25, v24;
	v36 =	vld.idx.msk [tilespmem:v36+s18+$0x0], $0xffff  }
0xe9: {  	v20 =	vadd.f32 v43, v20;
	v41 =	vmul.f32 v41, v16;
	v32 =	vor.u32 $0xE, v9;
	v22 =	vld.idx.msk [tilespmem:v22+s18+$0x0], $0xffff  }
0xea: {  	v23 =	vadd.f32 v58, v24;
	v58 =	vor.u32 $0xF, v10;
	v25 =	vld.idx.msk [tilespmem:v62+s18+$0x0], $0xffff;
	v62 =	vor.u32 $0xE, v11  }
0xeb: {  	v0 =	vadd.f32 v12, v0;
	v21 =	vld.idx.msk [tilespmem:v61+s18+$0x0], $0xffff;
	v61 =	vmul.f32 v27, v14;
	v14 =	vmul.f32 v57, v14  }
0xec: {  	v55 =	vmul.f32 v46, v18;
	v56 =	vmul.f32 v45, v18;
	v24 =	vld.idx.msk [tilespmem:v63+s12+$0x0], $0xffff;
	v63 =	vor.u32 $0xF, v6  }
0xed: {  	v57 =	vmul.f32 v37, v15;
	v0 =	vadd.f32 v14, v0;
	v14 =	vld.idx.msk [tilespmem:v59+s18+$0x0], $0xffff;
	v59 =	vor.u32 $0xF, v9  }
0xee: {  	v54 =	vor.u32 $0x11, v7;
	v32 =	vld.idx.msk [tilespmem:v32+s18+$0x0], $0xffff;
	v13 =	vadd.f32 v61, v13;
	v61 =	vor.u32 $0xF, v8  }
0xef: {  	v37 =	vor.u32 $0x10, v11;
	v12 =	vadd.f32 v57, v60;
	v27 =	vld.idx.msk [tilespmem:v62+s12+$0x0], $0xffff;
	v62 =	vor.u32 $0xE, v6  }
0xf0: {  	v60 =	vmul.f32 v34, v15;
	v15 =	vmul.f32 v38, v15;
	v13 =	vadd.f32 v35, v13;
	v35 =	vld.idx.msk [tilespmem:v58+s18+$0x0], $0xffff  }
0xf1: {  	v17 =	vmul.f32 v17, v19;
	v57 =	vmul.f32 v39, v16;
	v58 =	vor.u32 $0x10, v10;
	v38 =	vld.idx.msk [tilespmem:v63+s18+$0x0], $0xffff  }
0xf2: {  	v23 =	vadd.f32 v60, v23;
	v0 =	vadd.f32 v15, v0;
	v60 =	vor.u32 $0x10, v9;
	v30 =	vld.idx.msk [tilespmem:v59+s18+$0x0], $0xffff  }
0xf3: {  	v12 =	vadd.f32 v57, v12;
	v57 =	vor.u32 $0x11, v11;
	v34 =	vld.idx.msk [tilespmem:v61+s18+$0x0], $0xffff;
	v61 =	vmul.f32 v42, v16  }
0xf4: {  	v13 =	vadd.f32 v41, v13;
	v63 =	vor.u32 $0x10, v7;
	v59 =	vmul.f32 v48, v16;
	v28 =	vld.idx.msk [tilespmem:v62+s18+$0x0], $0xffff  }
0xf5: {  	v12 =	vadd.f32 v55, v12;
	v16 =	vmul.f32 v44, v16;
	v15 =	vadd.f32 v61, v20;
	v20 =	vld.idx.msk [tilespmem:v37+s12+$0x0], $0xffff  }
0xf6: {  	v55 =	vmul.f32 v40, v19;
	v62 =	vor.u32 $0xF, v7;
	v23 =	vadd.f32 v59, v23;
	v39 =	vld.idx.msk [tilespmem:v58+s18+$0x0], $0xffff  }
0xf7: {  	v37 =	vor.u32 $0x10, v6;
	v0 =	vadd.f32 v16, v0;
	v58 =	vmul.f32 v49, v18;
	v46 =	vld.idx.msk [tilespmem:v60+s18+$0x0], $0xffff  }
0xf8: {  	v59 =	vor.u32 $0x11, v10;
	v60 =	vor.u32 $0x11, v9;
	v61 =	vmul.f32 v51, v18;
	v40 =	vld.idx.msk [tilespmem:v57+s12+$0x0], $0xffff  }
0xf9: {  	v18 =	vmul.f32 v47, v18;
	v57 =	vor.u32 $0x12, v11;
	v49 =	vor.u32 $0x15, v11;
	v41 =	vld.idx.msk [tilespmem:v63+s18+$0x0], $0xffff  }
0xfa: {  	v23 =	vadd.f32 v56, v23;
	v15 =	vadd.f32 v61, v15;
	v61 =	vmul.f32 v25, v26;
	v25 =	vld.idx.msk [tilespmem:v54+s18+$0x0], $0xffff  }
0xfb: {  	v13 =	vadd.f32 v58, v13;
	v63 =	vmul.f32 v53, v19;
	v56 =	vor.u32 $0x11, v6;
	v42 =	vld.idx.msk [tilespmem:v62+s18+$0x0], $0xffff  }
0xfc: {  	v0 =	vadd.f32 v18, v0;
	v58 =	vmul.f32 v33, v19;
	v19 =	vmul.f32 v50, v19;
	v37 =	vld.idx.msk [tilespmem:v37+s18+$0x0], $0xffff  }
0xfd: {  	v31 =	vmul.f32 v31, v26;
	v53 =	vor.u32 $0x14, v11;
	v18 =	vld.idx.msk [tilespmem:v59+s18+$0x0], $0xffff  }
0xfe: {  	v21 =	vmul.f32 v21, v26;
	v62 =	vor.u32 $0x10, v8;
	v0 =	vadd.f32 v19, v0;
	v33 =	vld.idx.msk [tilespmem:v60+s18+$0x0], $0xffff  }
0xff: {  	v54 =	vmul.f32 v29, v26;
	v12 =	vadd.f32 v63, v12;
	v63 =	vor.u32 $0x12, v7;
	v29 =	vld.idx.msk [tilespmem:v57+s12+$0x0], $0xffff  }
0x100: {  	v16 =	vadd.f32 v55, v23;
	v55 =	vor.u32 $0x12, v6;
	v0 =	vadd.f32 v21, v0;
	v21 =	vld.idx.msk [tilespmem:v49+s12+$0x0], $0xffff  }
0x101: {  	v13 =	vadd.f32 v58, v13;
	v15 =	vadd.f32 v17, v15;
	v58 =	vor.u32 $0x13, v10;
	v17 =	vld.idx.msk [tilespmem:v56+s18+$0x0], $0xffff  }
0x102: {  	v32 =	vmul.f32 v32, v27;
	v59 =	vor.u32 $0x12, v10;
	v56 =	vmul.f32 v52, v26;
	v26 =	vld.idx.msk [tilespmem:v53+s12+$0x0], $0xffff  }
0x103: {  	v14 =	vmul.f32 v14, v27;
	v51 =	vor.u32 $0x15, v10;
	v60 =	vor.u32 $0x12, v9;
	v43 =	vld.idx.msk [tilespmem:v62+s18+$0x0], $0xffff  }
0x104: {  	v30 =	vmul.f32 v30, v24;
	v57 =	vor.u32 $0x13, v11;
	v13 =	vadd.f32 v31, v13;
	v19 =	vld.idx.msk [tilespmem:v63+s18+$0x0], $0xffff  }
0x105: {  	v12 =	vadd.f32 v61, v12;
	v16 =	vadd.f32 v54, v16;
	v61 =	vor.u32 $0x13, v8;
	v45 =	vld.idx.msk [tilespmem:v55+s18+$0x0], $0xffff  }
0x106: {  	v54 =	vmul.f32 v28, v27;
	v52 =	vor.u32 $0x13, v6;
	v13 =	vadd.f32 v14, v13;
	v14 =	vld.idx.msk [tilespmem:v58+s18+$0x0], $0xffff  }
0x107: {  	v50 =	vmul.f32 v46, v20;
	v41 =	vmul.f32 v41, v20;
	v62 =	vor.u32 $0x11, v8;
	v44 =	vld.idx.msk [tilespmem:v59+s18+$0x0], $0xffff  }
0x108: {  	v16 =	vadd.f32 v32, v16;
	v0 =	vadd.f32 v54, v0;
	v55 =	vor.u32 $0x14, v10;
	v23 =	vld.idx.msk [tilespmem:v60+s18+$0x0], $0xffff  }
0x109: {  	v54 =	vor.u32 $0x15, v8;
	v15 =	vadd.f32 v56, v15;
	v63 =	vmul.f32 v22, v27;
	v22 =	vld.idx.msk [tilespmem:v57+s12+$0x0], $0xffff  }
0x10a: {  	v56 =	vmul.f32 v35, v24;
	v58 =	vmul.f32 v34, v24;
	v59 =	vor.u32 $0x13, v9;
	v35 =	vld.idx.msk [tilespmem:v61+s18+$0x0], $0xffff  }
0x10b: {  	v60 =	vmul.f32 v36, v27;
	v57 =	vor.u32 $0x14, v9;
	v16 =	vadd.f32 v30, v16;
	v30 =	vld.idx.msk [tilespmem:v52+s18+$0x0], $0xffff  }
0x10c: {  	v15 =	vadd.f32 v63, v15;
	v61 =	vmul.f32 v42, v24;
	v24 =	vmul.f32 v38, v24;
	v48 =	vld.idx.msk [tilespmem:v62+s18+$0x0], $0xffff  }
0x10d: {  	v63 =	vmul.f32 v39, v20;
	v12 =	vadd.f32 v60, v12;
	v60 =	vor.u32 $0x14, v7;
	v28 =	vld.idx.msk [tilespmem:v55+s18+$0x0], $0xffff  }
0x10e: {  	v52 =	vor.u32 $0x15, v9;
	v15 =	vadd.f32 v61, v15;
	v53 =	vmul.f32 v43, v20;
	v43 =	vld.idx.msk [tilespmem:v54+s18+$0x0], $0xffff  }
0x10f: {  	v0 =	vadd.f32 v24, v0;
	v61 =	vor.u32 $0x16, v9;
	v20 =	vmul.f32 v37, v20;
	v27 =	vld.idx.msk [tilespmem:v59+s18+$0x0], $0xffff  }
0x110: {  	v62 =	vor.u32 $0x12, v8;
	v36 =	vld.idx.msk [tilespmem:v57+s18+$0x0], $0xffff  }
0x111: {  	v55 =	vor.u32 $0x15, v7;
	v0 =	vadd.f32 v20, v0;
	v20 =	vld.idx.msk [tilespmem:v51+s18+$0x0], $0xffff  }
0x112: {  	v49 =	vor.u32 $0x16, v6;
	v12 =	vadd.f32 v56, v12;
	v56 =	vor.u32 $0x15, v6;
	v32 =	vld.idx.msk [tilespmem:v60+s18+$0x0], $0xffff  }
0x113: {  	v18 =	vmul.f32 v18, v40;
	v13 =	vadd.f32 v58, v13;
	v58 =	vmul.f32 v33, v40;
	v33 =	vld.idx.msk [tilespmem:v52+s18+$0x0], $0xffff  }
0x114: {  	v59 =	vor.u32 $0x14, v8;
	v12 =	vadd.f32 v63, v12;
	v51 =	vmul.f32 v19, v29;
	v19 =	vld.idx.msk [tilespmem:v61+s18+$0x0], $0xffff  }
0x115: {  	v25 =	vmul.f32 v25, v40;
	v15 =	vadd.f32 v41, v15;
	v57 =	vor.u32 $0x16, v11;
	v31 =	vld.idx.msk [tilespmem:v62+s18+$0x0], $0xffff  }
0x116: {  	v16 =	vadd.f32 v50, v16;
	v50 =	vor.u32 $0x17, v11;
	v12 =	vadd.f32 v18, v12;
	v18 =	vld.idx.msk [tilespmem:v55+s18+$0x0], $0xffff  }
0x117: {  	v47 =	vor.u32 $0x18, v7;
	v15 =	vadd.f32 v25, v15;
	v62 =	vor.u32 $0x13, v7;
	v25 =	vld.idx.msk [tilespmem:v56+s18+$0x0], $0xffff  }
0x118: {  	v17 =	vmul.f32 v17, v40;
	v63 =	vor.u32 $0x16, v7;
	v60 =	vmul.f32 v48, v40;
	v40 =	vld.idx.msk [tilespmem:v49+s18+$0x0], $0xffff  }
0x119: {  	v16 =	vadd.f32 v58, v16;
	v54 =	vmul.f32 v45, v29;
	v56 =	vor.u32 $0x17, v7;
	v24 =	vld.idx.msk [tilespmem:v59+s18+$0x0], $0xffff  }
0x11a: {  	v23 =	vmul.f32 v23, v29;
	v14 =	vmul.f32 v14, v22;
	v59 =	vor.u32 $0x16, v10;
	v41 =	vld.idx.msk [tilespmem:v57+s12+$0x0], $0xffff  }
0x11b: {  	v52 =	vor.u32 $0x17, v10;
	v48 =	vmul.f32 v44, v29;
	v57 =	vmul.f32 v35, v22;
	v35 =	vld.idx.msk [tilespmem:v50+s12+$0x0], $0xffff  }
0x11c: {  	v13 =	vadd.f32 v53, v13;
	v53 =	vor.u32 $0x17, v9;
	v28 =	vmul.f32 v28, v26;
	v34 =	vld.idx.msk [tilespmem:v62+s18+$0x0], $0xffff  }
0x11d: {  	v49 =	vor.u32 $0x18, v6;
	v12 =	vadd.f32 v48, v12;
	v31 =	vmul.f32 v31, v29;
	v29 =	vld.idx.msk [tilespmem:v63+s18+$0x0], $0xffff  }
0x11e: {  	v16 =	vadd.f32 v23, v16;
	v27 =	vmul.f32 v27, v22;
	v45 =	vmul.f32 v36, v26;
	v36 =	vld.idx.msk [tilespmem:v56+s18+$0x0], $0xffff  }
0x11f: {  	v13 =	vadd.f32 v60, v13;
	v60 =	vor.u32 $0x18, v11;
	v12 =	vadd.f32 v14, v12;
	v38 =	vld.idx.msk [tilespmem:v59+s18+$0x0], $0xffff  }
0x120: {  	v62 =	vor.u32 $0x14, v6;
	v59 =	vadd.f32 v27, v16;
	v16 =	vld.idx.msk [tilespmem:v52+s18+$0x0], $0xffff  }
0x121: {  	v0 =	vadd.f32 v17, v0;
	v55 =	vor.u32 $0x17, v8;
	v12 =	vadd.f32 v28, v12;
	v28 =	vld.idx.msk [tilespmem:v47+s18+$0x0], $0xffff  }
0x122: {  	v58 =	vor.u32 $0x17, v6;
	v15 =	vadd.f32 v51, v15;
	v63 =	vor.u32 $0x18, v9;
	v27 =	vld.idx.msk [tilespmem:v49+s18+$0x0], $0xffff  }
0x123: {  	v0 =	vadd.f32 v54, v0;
	v51 =	vmul.f32 v20, v21;
	v13 =	vadd.f32 v31, v13;
	v31 =	vld.idx.msk [tilespmem:v53+s18+$0x0], $0xffff  }
0x124: {  	v50 =	vor.u32 $0x19, v11;
	v54 =	vmul.f32 v33, v21;
	v48 =	vmul.f32 v24, v26;
	v24 =	vld.idx.msk [tilespmem:v60+s12+$0x0], $0xffff  }
0x125: {  	v56 =	vmul.f32 v43, v21;
	v60 =	vor.u32 $0x1A, v11;
	v14 =	vadd.f32 v45, v59;
	v37 =	vld.idx.msk [tilespmem:v62+s18+$0x0], $0xffff  }
0x126: {  	v59 =	vor.u32 $0x19, v6;
	v61 =	vmul.f32 v34, v22;
	v22 =	vmul.f32 v30, v22;
	v30 =	vld.idx.msk [tilespmem:v55+s18+$0x0], $0xffff  }
0x127: {  	v18 =	vmul.f32 v18, v21;
	v19 =	vmul.f32 v19, v41;
	v53 =	vor.u32 $0x19, v9;
	v20 =	vld.idx.msk [tilespmem:v63+s18+$0x0], $0xffff  }
0x128: {  	v13 =	vadd.f32 v57, v13;
	v57 =	vor.u32 $0x19, v7;
	v0 =	vadd.f32 v22, v0;
	v22 =	vld.idx.msk [tilespmem:v58+s18+$0x0], $0xffff  }
0x129: {  	v62 =	vor.u32 $0x16, v8;
	v14 =	vadd.f32 v54, v14;
	v58 =	vmul.f32 v25, v21;
	v21 =	vld.idx.msk [tilespmem:v50+s12+$0x0], $0xffff  }
0x12a: {  	v32 =	vmul.f32 v32, v26;
	v55 =	vor.u32 $0x19, v8;
	v15 =	vadd.f32 v61, v15;
	v25 =	vld.idx.msk [tilespmem:v60+s12+$0x0], $0xffff  }
0x12b: {  	v63 =	vor.u32 $0x1A, v9;
	v14 =	vadd.f32 v19, v14;
	v19 =	vld.idx.msk [tilespmem:v59+s18+$0x0], $0xffff  }
0x12c: {  	v52 =	vor.u32 $0x19, v10;
	v15 =	vadd.f32 v32, v15;
	v32 =	vld.idx.msk [tilespmem:v53+s18+$0x0], $0xffff  }
0x12d: {  	v46 =	vor.u32 $0x18, v8;
	v45 =	vmul.f32 v29, v41;
	v29 =	vld.idx.msk [tilespmem:v57+s18+$0x0], $0xffff  }
0x12e: {  	v49 =	vor.u32 $0x1A, v6;
	v12 =	vadd.f32 v51, v12;
	v54 =	vmul.f32 v36, v35;
	v23 =	vld.idx.msk [tilespmem:v62+s18+$0x0], $0xffff  }
0x12f: {  	v13 =	vadd.f32 v48, v13;
	v16 =	vmul.f32 v16, v35;
	v50 =	vor.u32 $0x1B, v11;
	v33 =	vld.idx.msk [tilespmem:v55+s18+$0x0], $0xffff  }
0x130: {  	v53 =	vor.u32 $0x1B, v9;
	v26 =	vmul.f32 v37, v26;
	v51 =	vmul.f32 v30, v35;
	v30 =	vld.idx.msk [tilespmem:v63+s18+$0x0], $0xffff  }
0x131: {  	v61 =	vmul.f32 v38, v41;
	v59 =	vor.u32 $0x1C, v11;
	v15 =	vadd.f32 v18, v15;
	v18 =	vld.idx.msk [tilespmem:v52+s18+$0x0], $0xffff  }
0x132: {  	v31 =	vmul.f32 v31, v35;
	v62 =	vor.u32 $0x18, v10;
	v0 =	vadd.f32 v26, v0;
	v26 =	vld.idx.msk [tilespmem:v46+s18+$0x0], $0xffff  }
0x133: {  	v13 =	vadd.f32 v56, v13;
	v56 =	vor.u32 $0x1B, v7;
	v22 =	vmul.f32 v22, v35;
	v35 =	vld.idx.msk [tilespmem:v49+s18+$0x0], $0xffff  }
0x134: {  	v42 =	vor.u32 $0x1C, v8;
	v57 =	vmul.f32 v20, v24;
	v63 =	vor.u32 $0x1C, v9;
	v20 =	vld.idx.msk [tilespmem:v50+s12+$0x0], $0xffff  }
0x135: {  	v43 =	vor.u32 $0x1C, v7;
	v12 =	vadd.f32 v61, v12;
	v46 =	vor.u32 $0x1A, v8;
	v61 =	vld.idx.msk [tilespmem:v53+s18+$0x0], $0xffff  }
0x136: {  	v47 =	vor.u32 $0x1A, v7;
	v48 =	vmul.f32 v40, v41;
	v44 =	vmul.f32 v32, v21;
	v32 =	vld.idx.msk [tilespmem:v59+s12+$0x0], $0xffff  }
0x137: {  	v28 =	vmul.f32 v28, v24;
	v49 =	vor.u32 $0x1D, v10;
	v0 =	vadd.f32 v58, v0;
	v34 =	vld.idx.msk [tilespmem:v62+s18+$0x0], $0xffff  }
0x138: {  	v15 =	vadd.f32 v45, v15;
	v23 =	vmul.f32 v23, v41;
	v41 =	vmul.f32 v18, v21;
	v18 =	vld.idx.msk [tilespmem:v56+s18+$0x0], $0xffff  }
0x139: {  	v14 =	vadd.f32 v31, v14;
	v50 =	vor.u32 $0x1D, v9;
	v0 =	vadd.f32 v48, v0;
	v48 =	vld.idx.msk [tilespmem:v63+s18+$0x0], $0xffff  }
0x13a: {  	v52 =	vor.u32 $0x1B, v10;
	v12 =	vadd.f32 v16, v12;
	v15 =	vadd.f32 v54, v15;
	v16 =	vld.idx.msk [tilespmem:v46+s18+$0x0], $0xffff  }
0x13b: {  	v55 =	vor.u32 $0x1B, v8;
	v14 =	vadd.f32 v57, v14;
	v13 =	vadd.f32 v23, v13;
	v23 =	vld.idx.msk [tilespmem:v47+s18+$0x0], $0xffff  }
0x13c: {  	v57 =	vor.u32 $0x1E, v11;
	v53 =	vor.u32 $0x1D, v7;
	v15 =	vadd.f32 v28, v15;
	v28 =	vld.idx.msk [tilespmem:v43+s18+$0x0], $0xffff  }
0x13d: {  	v45 =	vor.u32 $0x1C, v6;
	v29 =	vmul.f32 v29, v21;
	v62 =	vor.u32 $0x1A, v10;
	v56 =	vld.idx.msk [tilespmem:v49+s18+$0x0], $0xffff  }
0x13e: {  	v58 =	vor.u32 $0x1B, v6;
	v33 =	vmul.f32 v33, v21;
	v30 =	vmul.f32 v30, v25;
	v59 =	vld.idx.msk [tilespmem:v50+s18+$0x0], $0xffff  }
0x13f: {  	v14 =	vadd.f32 v44, v14;
	v60 =	vmul.f32 v26, v24;
	v0 =	vadd.f32 v22, v0;
	v22 =	vld.idx.msk [tilespmem:v52+s18+$0x0], $0xffff  }
0x140: {  	v46 =	vor.u32 $0x1D, v11;
	v47 =	vmul.f32 v19, v21;
	v15 =	vadd.f32 v29, v15;
	v29 =	vld.idx.msk [tilespmem:v42+s18+$0x0], $0xffff  }
0x141: {  	v43 =	vor.u32 $0x1E, v7;
	v11 =	vor.u32 $0x1F, v11;
	v7 =	vor.u32 $0x1F, v7;
	v40 =	vld.idx.msk [tilespmem:v53+s18+$0x0], $0xffff  }
0x142: {  	v52 =	vor.u32 $0x1D, v8;
	v38 =	vld.idx.msk [tilespmem:v62+s18+$0x0], $0xffff;
	v34 =	vmul.f32 v34, v24;
	v24 =	vmul.f32 v27, v24  }
0x143: {  	v14 =	vadd.f32 v30, v14;
	v13 =	vadd.f32 v51, v13;
	v26 =	vmul.f32 v61, v20;
	v27 =	vld.idx.msk [tilespmem:v55+s18+$0x0], $0xffff  }
0x144: {  	v62 =	vor.u32 $0x1C, v10;
	v55 =	vor.u32 $0x1D, v6;
	v0 =	vadd.f32 v24, v0;
	v24 =	vld.idx.msk [tilespmem:v58+s18+$0x0], $0xffff  }
0x145: {  	v13 =	vadd.f32 v60, v13;
	v60 =	vor.u32 $0x1E, v10;
	v12 =	vadd.f32 v34, v12;
	v34 =	vld.idx.msk [tilespmem:v45+s18+$0x0], $0xffff  }
0x146: {  	v14 =	vadd.f32 v26, v14;
	v44 =	vmul.f32 v18, v20;
	v54 =	vmul.f32 v23, v25;
	v23 =	vld.idx.msk [tilespmem:v46+s12+$0x0], $0xffff  }
0x147: {  	v48 =	vmul.f32 v48, v32;
	v10 =	vor.u32 $0x1F, v10;
	v16 =	vmul.f32 v16, v25;
	v45 =	vld.idx.msk [tilespmem:v57+s12+$0x0], $0xffff  }
0x148: {  	v58 =	vmul.f32 v35, v25;
	v46 =	vor.u32 $0x1E, v6;
	v53 =	vmul.f32 v28, v32;
	v11 =	vld.idx.msk [tilespmem:v11+s12+$0x0], $0xffff  }
0x149: {  	v6 =	vor.u32 $0x1F, v6;
	v7 =	vld.idx.msk [tilespmem:v7+s18+$0x0], $0xffff;
	v13 =	vadd.f32 v33, v13;
	v14 =	vadd.f32 v48, v14  }
0x14a: {  	v22 =	vmul.f32 v22, v20;
	v61 =	vld.idx.msk [tilespmem:v52+s18+$0x0], $0xffff;
	v12 =	vadd.f32 v41, v12;
	v0 =	vadd.f32 v47, v0  }
0x14b: {  	v52 =	vld.idx.msk [tilespmem:v43+s18+$0x0], $0xffff;
	v15 =	vadd.f32 v54, v15;
	v41 =	vor.u32 $0x1E, v8;
	v8 =	vor.u32 $0x1F, v8  }
0x14c: {  	v31 =	vld.idx.msk [tilespmem:v62+s18+$0x0], $0xffff;
	v51 =	vmul.f32 v38, v25;
	v13 =	vadd.f32 v16, v13;
	v62 =	vor.u32 $0x1E, v9  }
0x14d: {  	v63 =	vmul.f32 v27, v20;
	v42 =	vld.idx.msk [tilespmem:v55+s18+$0x0], $0xffff;
	v9 =	vor.u32 $0x1F, v9;
	v0 =	vadd.f32 v58, v0  }
0x14e: {  	v30 =	vld.idx.msk [tilespmem:v60+s18+$0x0], $0xffff;
	v12 =	vadd.f32 v51, v12;
	v20 =	vmul.f32 v24, v20;
	v51 =	vmul.f32 v29, v32  }
0x14f: {  	v15 =	vadd.f32 v44, v15;
	v10 =	vld.idx.msk [tilespmem:v10+s18+$0x0], $0xffff;
	v54 =	vmul.f32 v34, v32;
	v16 =	vmul.f32 v56, v23  }
0x150: {  	v13 =	vadd.f32 v63, v13;
	v21 =	vld.idx.msk [tilespmem:v46+s18+$0x0], $0xffff;
	v55 =	vmul.f32 v59, v23;
	v57 =	vmul.f32 v40, v23  }
0x151: {  	v15 =	vadd.f32 v53, v15;
	v12 =	vadd.f32 v22, v12;
	v47 =	vmul.f32 v31, v32;
	v49 =	vld.idx.msk [tilespmem:v62+s18+$0x0], $0xffff  }
0x152: {  	v7 =	vmul.f32 v7, v11;
	v0 =	vadd.f32 v20, v0;
	v50 =	vld.idx.msk [tilespmem:v41+s18+$0x0], $0xffff;
	v13 =	vadd.f32 v51, v13  }
0x153: {  	v56 =	vmul.f32 v61, v23;
	v14 =	vadd.f32 v55, v14;
	v9 =	vld.idx.msk [tilespmem:v9+s18+$0x0], $0xffff;
	v12 =	vadd.f32 v47, v12  }
0x154: {  	v8 =	vld.idx.msk [tilespmem:v8+s18+$0x0], $0xffff;
	v58 =	vmul.f32 v42, v23;
	v15 =	vadd.f32 v57, v15;
	v62 =	vmul.f32 v52, v45  }
0x155: {  	v6 =	vld.idx.msk [tilespmem:v6+s18+$0x0], $0xffff;
	v0 =	vadd.f32 v54, v0;
	v59 =	vmul.f32 v30, v45;
	v12 =	vadd.f32 v16, v12  }
0x156: {  	v13 =	vadd.f32 v56, v13;
	v10 =	vmul.f32 v10, v11;
	v60 =	vmul.f32 v49, v45  }
0x157: {  	v63 =	vmul.f32 v21, v45;
	v61 =	vmul.f32 v50, v45;
	v12 =	vadd.f32 v59, v12  }
0x158: {  	v0 =	vadd.f32 v58, v0;
	v9 =	vmul.f32 v9, v11;
	v14 =	vadd.f32 v60, v14  }
0x159: {  	v8 =	vmul.f32 v8, v11;
	v13 =	vadd.f32 v61, v13;
	v10 =	vadd.f32 v10, v12  }
0x15a: {  	p0 =	sne.s32 s22, $0x1F0;
	v15 =	vadd.f32 v62, v15;
	v6 =	vmul.f32 v6, v11;
	v9 =	vadd.f32 v9, v14  }
.Ltmp0:
0x15b: {  	v0 =	vadd.f32 v63, v0;
	v8 =	vadd.f32 v8, v13;
	[tilespmem:v1+s20+$0x0] =	vst.idx.msk $0xffff, v10;
	(pc) =	sbr.rel @p0 .LBB2_2-.Ltmp0, $4  }
0x15c: {  	v1 =	vadd.f32 v7, v15;
	[tilespmem:v2+s20+$0x0] =	vst.idx.msk $0xffff, v9  }
0x15d: {  	v0 =	vadd.f32 v6, v0;
	[tilespmem:v3+s20+$0x0] =	vst.idx.msk $0xffff, v8  }
0x15e: {  	[tilespmem:v4+s20+$0x0] =	vst.idx.msk $0xffff, v1  }
0x15f: {  	s22 =	sadd.s32 $0x10, s22;
	[tilespmem:v5+s20+$0x0] =	vst.idx.msk $0xffff, v0;
	v0 =	vlaneseq.u32  }
0x160: {  	s21 =	sadd.s32 $0x1, s21  }
0x161: {  	p0 =	sne.s32 s21, s8  }
.Ltmp1:
0x162: {  	_ = 	snop;
	(pc) =	sbr.rel @p0 .LBB2_1-.Ltmp1, $4  }
0x163: {  	[hbm4b:s7+s2] =	stream.linear.scatter [tilespmem:s20], [sflag:$0x2], $0xA00, $0x38;
	[tilespmem:$0x19600] =	vst v63  }
0x164: {  	_ =	swait.ge [sflag:s9], $0xA00  }
0x165: {  	[sflag:s9] =	ssyncset.done $0x0  }
0x166: {  	[sflag:s9] =	ssyncadd.s32 $0xFFFFF600  }
0x167: {  	_ =	sfence.sel $0x180000  }
0x168: {  	[bflag:$0x0] =	sbarrier.arrive $0xFFFF  }
0x169: {  	_ =	strace $0x90000047  }
0x16a: {  	s0 =	stileid.u32;
	[bflag:$0x2] =	sbarrier.arrive $0xFFFF  }
0x16b: {  	p0 =	sne.s32 s0, $0x0;
	s0 =	rddreg [dreg:$0x3]  }
0x16c: {  	s0 =	sadd.s32 @!p0 $0x100000, s0  }
0x16d: {  	[sflag:s0] =	ssyncadd.tile.s32 @!p0 $0x1;
	_ =	shalt  }
.Lfunc_end2:
_tile_overlayer_lowered:
.L_overlay_start_2:
0x16e: {  	(tag) =	ssettag $0x2  }
0x16f: {  	s0 =	rddreg [dreg:$0x0];
	s2 =	stileid.u32  }
0x170: {  	s1 =	rddreg [dreg:$0x1];
	p0 =	sne.s32 s2, $0x0  }
0x171: {  	s3 =	rddreg [dreg:$0x2];
	[bflag:$0x3] =	sbarrier.arrive $0xFFFF;
	s2 =	simm.s32 @!p0 $0x1C02  }
0x172: {  	[timem:s3], [sflag:s2] =	dma.local @!p0 [hbm:s0], s1  }
0x173: {  	s0 =	simm.s32 @!p0 $0x2  }
0x174: {  	_ =	swait.ge @!p0 [sflag:s0], s1  }
0x175: {  	s1 =	ssub.s32 @!p0 $0x0, s1;
	[sflag:s0] =	ssyncset.done @!p0 $0x0  }
0x176: {  	[sflag:s0] =	ssyncadd.s32 @!p0 s1  }
0x177: {  	[bflag:$0x3] =	sbarrier.arrive $0xFFFF  }
0x178: {  	_ =	shalt  }

</sc_bundles>
